<compile_context>
chip_gen: v7x
topology: tpu7x:2x2x1
jax: 0.10.2.dev20260603
libtpu: 0.0.44.dev20260713+nightly
codegen_flags: <defaults>
</compile_context>

<pallas_src>
import functools

import jax
import jax.numpy as jnp
from jax import lax
from jax.experimental import pallas as pl
from jax.experimental.pallas import tpu as pltpu
from jax.experimental.pallas import tpu_sc as plsc

_VOCAB = 100000
_D = 64
_B = 4
_S = 2048

_info = plsc.get_sparse_core_info()
_NC = _info.num_cores
_NS = _info.num_subcores
_L = _info.num_lanes
_NW = _NC * _NS
_DPW = _D // _NW

_mesh = plsc.VectorSubcoreMesh(core_axis_name="c", subcore_axis_name="s")


@functools.partial(
    pl.kernel,
    out_type=jax.ShapeDtypeStruct((_B, _D, _S), jnp.float32),
    mesh=_mesh,
    compiler_params=pltpu.CompilerParams(needs_layout_passes=False),
    scratch_types=[
        pltpu.VMEM((_VOCAB,), jnp.float32),
        pltpu.VMEM((_B, _S), jnp.int32),
        pltpu.VMEM((_DPW, _S), jnp.float32),
        pltpu.VMEM((_DPW, _B, _S), jnp.float32),
        pltpu.SemaphoreType.DMA,
        pltpu.SemaphoreType.DMA,
        pltpu.SemaphoreType.DMA,
        pltpu.SemaphoreType.REGULAR,
    ],
)
def _embed(x_hbm, tokT_hbm, posT_hbm, out_hbm, row_v, idx_v, pos_v, out_v,
           sem_row, sem_in, sem_out, sem_fence):
    d0 = (lax.axis_index("c") * _NS + lax.axis_index("s")) * _DPW

    cp_row0 = pltpu.async_copy(tokT_hbm.at[d0], row_v, sem_row)
    cp_idx = pltpu.async_copy(x_hbm, idx_v, sem_in)
    cp_pos = pltpu.async_copy(posT_hbm.at[pl.ds(d0, _DPW)], pos_v, sem_in)

    def compute(k):
        @functools.partial(plsc.parallel_loop, 0, _S // _L, unroll=8)
        def _body(i):
            base = i * _L
            pv = pos_v[k, pl.ds(base, _L)]
            for b in range(_B):
                ids = idx_v[b, pl.ds(base, _L)]
                g = plsc.load_gather(row_v, [ids])
                out_v[k, b, pl.ds(base, _L)] = g + pv
        pl.semaphore_signal(sem_fence, 1)
        pl.semaphore_wait(sem_fence, 1)

    cp_idx.wait()
    cp_pos.wait()
    cp_row0.wait()
    compute(0)
    cp_row1 = pltpu.async_copy(tokT_hbm.at[d0 + 1], row_v, sem_row)
    outs0 = [
        pltpu.async_copy(out_v.at[0, b], out_hbm.at[b, d0], sem_out)
        for b in range(_B)
    ]
    cp_row1.wait()
    compute(1)
    for b in range(_B):
        pltpu.sync_copy(out_v.at[1, b], out_hbm.at[b, d0 + 1])
    for cp in outs0:
        cp.wait()


def kernel(x, token_table, pos_table):
    out = _embed(x.astype(jnp.int32), token_table.T, pos_table.T)
    return out.transpose(0, 2, 1)

# --- scband reference (transcript-rebuilt; emitter-appended) ---
"""Pipeline reference for scband-token-and-position-embedding-82119774699809 (READ-ONLY COPY).

The authoritative reference and input builder live on the scoring server;
editing this copy changes nothing except your own understanding.
"""

import jax, jax.numpy as jnp
import numpy as np

VOCAB = 100000
MAXLEN = 2048
EMBED_DIM = 64
BATCH = 4
SEQ = 2048

def setup_inputs(seed: int = 0) -> dict:
    key = jax.random.key(seed)
    k1, k2, k3 = jax.random.split(key, 3)
    x = jax.random.randint(k1, (BATCH, SEQ), 0, VOCAB, dtype=jnp.int64 if jax.config.jax_enable_x64 else jnp.int32)
    token_table = jax.random.normal(k2, (VOCAB, EMBED_DIM), dtype=jnp.float32) * 0.02
    pos_table = jax.random.normal(k3, (MAXLEN, EMBED_DIM), dtype=jnp.float32) * 0.02
    return {"x": x, "token_table": token_table, "pos_table": pos_table}

def reference(x, token_table, pos_table):
    seqlen = x.shape[-1]
    positions = jnp.arange(seqlen)
    pos_emb = jnp.take(pos_table, positions, axis=0)  # [seq, d]
    tok_emb = jnp.take(token_table, x, axis=0)        # [B, seq, d]
    return tok_emb + pos_emb[None, :, :]

if __name__ == "__main__":
    import jax
    _d = setup_inputs()
    print(jax.jit(kernel)(*tuple(_d.values())))

</pallas_src>

<mosaic_0001>
#map = affine_map<(d0, d1) -> (0, 0)>
#map1 = affine_map<(d0, d1) -> (0, 0, 0)>
module attributes {stable_mosaic.version = 14 : i64} {
  func.func @_embed(%arg0: i32, %arg1: i32, %arg2: memref<4x2048xi32, #tpu.memory_space<hbm>>, %arg3: memref<64x100000xf32, #tpu.memory_space<hbm>>, %arg4: memref<64x2048xf32, #tpu.memory_space<hbm>>, %arg5: memref<4x64x2048xf32, #tpu.memory_space<hbm>>, %arg6: memref<100000xf32, #tpu.memory_space<vmem>>, %arg7: memref<4x2048xi32, #tpu.memory_space<vmem>>, %arg8: memref<2x2048xf32, #tpu.memory_space<vmem>>, %arg9: memref<2x4x2048xf32, #tpu.memory_space<vmem>>, %arg10: memref<!tpu.dma_semaphore, #tpu.memory_space<semaphore_mem>>, %arg11: memref<!tpu.dma_semaphore, #tpu.memory_space<semaphore_mem>>, %arg12: memref<!tpu.dma_semaphore, #tpu.memory_space<semaphore_mem>>, %arg13: memref<!tpu.semaphore, #tpu.memory_space<semaphore_mem>>) attributes {dimension_semantics = [#tpu.dimension_semantics<core_parallel>, #tpu.dimension_semantics<subcore_parallel>], iteration_bounds = array<i64: 2, 16>, scalar_prefetch = 0 : i64, scratch_operands = 8 : i64, tpu.core_type = #tpu.core_type<sc_vector_subcore>, window_params = [{transform_indices = #map}, {transform_indices = #map}, {transform_indices = #map}, {transform_indices = #map1}]} {
    %mul3A = arith.constant 16 : i32
    %mul3A_0 = arith.muli %arg0, %mul3A : i32
    %add3A = arith.addi %mul3A_0, %arg1 : i32
    %mul3A_1 = arith.constant 2 : i32
    %mul3A_2 = arith.muli %add3A, %mul3A_1 : i32
    %dma_start3A = arith.constant 0 : i32
    %dma_start3A_3 = tpu.memref_slice %arg3[%mul3A_2, %dma_start3A] : memref<64x100000xf32, #tpu.memory_space<hbm>> -> memref<1x100000xf32, #tpu.memory_space<hbm>>
    %dma_start3A_4 = tpu.memref_squeeze %dma_start3A_3 : memref<1x100000xf32, #tpu.memory_space<hbm>> -> memref<100000xf32, #tpu.memory_space<hbm>>
    %dma_start3A_5 = arith.constant 0 : i32
    %dma_start3A_6 = tpu.memref_slice %arg3[%mul3A_2, %dma_start3A_5] : memref<64x100000xf32, #tpu.memory_space<hbm>> -> memref<1x100000xf32, #tpu.memory_space<hbm>>
    %dma_start3A_7 = tpu.memref_squeeze %dma_start3A_6 : memref<1x100000xf32, #tpu.memory_space<hbm>> -> memref<100000xf32, #tpu.memory_space<hbm>>
    tpu.enqueue_dma source(%dma_start3A_7 : memref<100000xf32, #tpu.memory_space<hbm>>) target(%arg6 : memref<100000xf32, #tpu.memory_space<vmem>>) target_semaphore(%arg10 : memref<!tpu.dma_semaphore, #tpu.memory_space<semaphore_mem>>)
    tpu.enqueue_dma source(%arg2 : memref<4x2048xi32, #tpu.memory_space<hbm>>) target(%arg7 : memref<4x2048xi32, #tpu.memory_space<vmem>>) target_semaphore(%arg11 : memref<!tpu.dma_semaphore, #tpu.memory_space<semaphore_mem>>)
    %dma_start3A_8 = arith.constant 0 : i32
    %dma_start3A_9 = tpu.memref_slice %arg4[%mul3A_2, %dma_start3A_8] : memref<64x2048xf32, #tpu.memory_space<hbm>> -> memref<2x2048xf32, #tpu.memory_space<hbm>>
    %dma_start3A_10 = arith.constant 0 : i32
    %dma_start3A_11 = tpu.memref_slice %arg4[%mul3A_2, %dma_start3A_10] : memref<64x2048xf32, #tpu.memory_space<hbm>> -> memref<2x2048xf32, #tpu.memory_space<hbm>>
    tpu.enqueue_dma source(%dma_start3A_11 : memref<2x2048xf32, #tpu.memory_space<hbm>>) target(%arg8 : memref<2x2048xf32, #tpu.memory_space<vmem>>) target_semaphore(%arg11 : memref<!tpu.dma_semaphore, #tpu.memory_space<semaphore_mem>>)
    tpu.wait_dma2 semaphore(%arg11 : memref<!tpu.dma_semaphore, #tpu.memory_space<semaphore_mem>>) src(%arg2 : memref<4x2048xi32, #tpu.memory_space<hbm>>) dst(%arg7 : memref<4x2048xi32, #tpu.memory_space<vmem>>)
    %dma_wait3A = arith.constant 0 : i32
    %dma_wait3A_12 = tpu.memref_slice %arg4[%mul3A_2, %dma_wait3A] : memref<64x2048xf32, #tpu.memory_space<hbm>> -> memref<2x2048xf32, #tpu.memory_space<hbm>>
    %dma_wait3A_13 = arith.constant 0 : i32
    %dma_wait3A_14 = tpu.memref_slice %arg4[%mul3A_2, %dma_wait3A_13] : memref<64x2048xf32, #tpu.memory_space<hbm>> -> memref<2x2048xf32, #tpu.memory_space<hbm>>
    tpu.wait_dma2 semaphore(%arg11 : memref<!tpu.dma_semaphore, #tpu.memory_space<semaphore_mem>>) src(%dma_wait3A_14 : memref<2x2048xf32, #tpu.memory_space<hbm>>) dst(%arg8 : memref<2x2048xf32, #tpu.memory_space<vmem>>)
    %dma_wait3A_15 = arith.constant 0 : i32
    %dma_wait3A_16 = tpu.memref_slice %arg3[%mul3A_2, %dma_wait3A_15] : memref<64x100000xf32, #tpu.memory_space<hbm>> -> memref<1x100000xf32, #tpu.memory_space<hbm>>
    %dma_wait3A_17 = tpu.memref_squeeze %dma_wait3A_16 : memref<1x100000xf32, #tpu.memory_space<hbm>> -> memref<100000xf32, #tpu.memory_space<hbm>>
    %dma_wait3A_18 = arith.constant 0 : i32
    %dma_wait3A_19 = tpu.memref_slice %arg3[%mul3A_2, %dma_wait3A_18] : memref<64x100000xf32, #tpu.memory_space<hbm>> -> memref<1x100000xf32, #tpu.memory_space<hbm>>
    %dma_wait3A_20 = tpu.memref_squeeze %dma_wait3A_19 : memref<1x100000xf32, #tpu.memory_space<hbm>> -> memref<100000xf32, #tpu.memory_space<hbm>>
    tpu.wait_dma2 semaphore(%arg10 : memref<!tpu.dma_semaphore, #tpu.memory_space<semaphore_mem>>) src(%dma_wait3A_20 : memref<100000xf32, #tpu.memory_space<hbm>>) dst(%arg6 : memref<100000xf32, #tpu.memory_space<vmem>>)
    %semaphore_signal3A = arith.constant 1 : i32
    tpu.sem_signal %arg13, %semaphore_signal3A : memref<!tpu.semaphore, #tpu.memory_space<semaphore_mem>>
    %semaphore_wait3A = arith.constant 1 : i32
    %semaphore_wait3A_21 = arith.constant true
    tpu.sem_wait %arg13, %semaphore_wait3A : memref<!tpu.semaphore, #tpu.memory_space<semaphore_mem>>
    %add3A_22 = arith.constant 1 : i32
    %add3A_23 = arith.addi %mul3A_2, %add3A_22 : i32
    %dma_start3A_24 = arith.constant 0 : i32
    %dma_start3A_25 = tpu.memref_slice %arg3[%add3A_23, %dma_start3A_24] : memref<64x100000xf32, #tpu.memory_space<hbm>> -> memref<1x100000xf32, #tpu.memory_space<hbm>>
    %dma_start3A_26 = tpu.memref_squeeze %dma_start3A_25 : memref<1x100000xf32, #tpu.memory_space<hbm>> -> memref<100000xf32, #tpu.memory_space<hbm>>
    %dma_start3A_27 = arith.constant 0 : i32
    %dma_start3A_28 = tpu.memref_slice %arg3[%add3A_23, %dma_start3A_27] : memref<64x100000xf32, #tpu.memory_space<hbm>> -> memref<1x100000xf32, #tpu.memory_space<hbm>>
    %dma_start3A_29 = tpu.memref_squeeze %dma_start3A_28 : memref<1x100000xf32, #tpu.memory_space<hbm>> -> memref<100000xf32, #tpu.memory_space<hbm>>
    tpu.enqueue_dma source(%dma_start3A_29 : memref<100000xf32, #tpu.memory_space<hbm>>) target(%arg6 : memref<100000xf32, #tpu.memory_space<vmem>>) target_semaphore(%arg10 : memref<!tpu.dma_semaphore, #tpu.memory_space<semaphore_mem>>)
    %dma_start3A_30 = arith.constant 0 : i32
    %dma_start3A_31 = arith.constant 0 : i32
    %dma_start3A_32 = arith.constant 0 : i32
    %dma_start3A_33 = arith.constant 0 : i32
    %dma_start3A_34 = tpu.memref_slice %arg9[%dma_start3A_30, %dma_start3A_31, %dma_start3A_33] : memref<2x4x2048xf32, #tpu.memory_space<vmem>> -> memref<1x1x2048xf32, #tpu.memory_space<vmem>>
    %dma_start3A_35 = tpu.memref_squeeze %dma_start3A_34 : memref<1x1x2048xf32, #tpu.memory_space<vmem>> -> memref<2048xf32, #tpu.memory_space<vmem>>
    %dma_start3A_36 = arith.constant 0 : i32
    %dma_start3A_37 = tpu.memref_slice %arg5[%dma_start3A_32, %mul3A_2, %dma_start3A_36] : memref<4x64x2048xf32, #tpu.memory_space<hbm>> -> memref<1x1x2048xf32, #tpu.memory_space<hbm>>
    %dma_start3A_38 = tpu.memref_squeeze %dma_start3A_37 : memref<1x1x2048xf32, #tpu.memory_space<hbm>> -> memref<2048xf32, #tpu.memory_space<hbm>>
    %dma_start3A_39 = arith.constant 0 : i32
    %dma_start3A_40 = tpu.memref_slice %arg5[%dma_start3A_32, %mul3A_2, %dma_start3A_39] : memref<4x64x2048xf32, #tpu.memory_space<hbm>> -> memref<1x1x2048xf32, #tpu.memory_space<hbm>>
    %dma_start3A_41 = tpu.memref_squeeze %dma_start3A_40 : memref<1x1x2048xf32, #tpu.memory_space<hbm>> -> memref<2048xf32, #tpu.memory_space<hbm>>
    %dma_start3A_42 = arith.constant 0 : i32
    %dma_start3A_43 = tpu.memref_slice %arg9[%dma_start3A_30, %dma_start3A_31, %dma_start3A_42] : memref<2x4x2048xf32, #tpu.memory_space<vmem>> -> memref<1x1x2048xf32, #tpu.memory_space<vmem>>
    %dma_start3A_44 = tpu.memref_squeeze %dma_start3A_43 : memref<1x1x2048xf32, #tpu.memory_space<vmem>> -> memref<2048xf32, #tpu.memory_space<vmem>>
    tpu.enqueue_dma source(%dma_start3A_44 : memref<2048xf32, #tpu.memory_space<vmem>>) target(%dma_start3A_41 : memref<2048xf32, #tpu.memory_space<hbm>>) target_semaphore(%arg12 : memref<!tpu.dma_semaphore, #tpu.memory_space<semaphore_mem>>)
    %dma_start3A_45 = arith.constant 0 : i32
    %dma_start3A_46 = arith.constant 1 : i32
    %dma_start3A_47 = arith.constant 1 : i32
    %dma_start3A_48 = arith.constant 0 : i32
    %dma_start3A_49 = tpu.memref_slice %arg9[%dma_start3A_45, %dma_start3A_46, %dma_start3A_48] : memref<2x4x2048xf32, #tpu.memory_space<vmem>> -> memref<1x1x2048xf32, #tpu.memory_space<vmem>>
    %dma_start3A_50 = tpu.memref_squeeze %dma_start3A_49 : memref<1x1x2048xf32, #tpu.memory_space<vmem>> -> memref<2048xf32, #tpu.memory_space<vmem>>
    %dma_start3A_51 = arith.constant 0 : i32
    %dma_start3A_52 = tpu.memref_slice %arg5[%dma_start3A_47, %mul3A_2, %dma_start3A_51] : memref<4x64x2048xf32, #tpu.memory_space<hbm>> -> memref<1x1x2048xf32, #tpu.memory_space<hbm>>
    %dma_start3A_53 = tpu.memref_squeeze %dma_start3A_52 : memref<1x1x2048xf32, #tpu.memory_space<hbm>> -> memref<2048xf32, #tpu.memory_space<hbm>>
    %dma_start3A_54 = arith.constant 0 : i32
    %dma_start3A_55 = tpu.memref_slice %arg5[%dma_start3A_47, %mul3A_2, %dma_start3A_54] : memref<4x64x2048xf32, #tpu.memory_space<hbm>> -> memref<1x1x2048xf32, #tpu.memory_space<hbm>>
    %dma_start3A_56 = tpu.memref_squeeze %dma_start3A_55 : memref<1x1x2048xf32, #tpu.memory_space<hbm>> -> memref<2048xf32, #tpu.memory_space<hbm>>
    %dma_start3A_57 = arith.constant 0 : i32
    %dma_start3A_58 = tpu.memref_slice %arg9[%dma_start3A_45, %dma_start3A_46, %dma_start3A_57] : memref<2x4x2048xf32, #tpu.memory_space<vmem>> -> memref<1x1x2048xf32, #tpu.memory_space<vmem>>
    %dma_start3A_59 = tpu.memref_squeeze %dma_start3A_58 : memref<1x1x2048xf32, #tpu.memory_space<vmem>> -> memref<2048xf32, #tpu.memory_space<vmem>>
    tpu.enqueue_dma source(%dma_start3A_59 : memref<2048xf32, #tpu.memory_space<vmem>>) target(%dma_start3A_56 : memref<2048xf32, #tpu.memory_space<hbm>>) target_semaphore(%arg12 : memref<!tpu.dma_semaphore, #tpu.memory_space<semaphore_mem>>)
    %dma_start3A_60 = arith.constant 0 : i32
    %dma_start3A_61 = arith.constant 2 : i32
    %dma_start3A_62 = arith.constant 2 : i32
    %dma_start3A_63 = arith.constant 0 : i32
    %dma_start3A_64 = tpu.memref_slice %arg9[%dma_start3A_60, %dma_start3A_61, %dma_start3A_63] : memref<2x4x2048xf32, #tpu.memory_space<vmem>> -> memref<1x1x2048xf32, #tpu.memory_space<vmem>>
    %dma_start3A_65 = tpu.memref_squeeze %dma_start3A_64 : memref<1x1x2048xf32, #tpu.memory_space<vmem>> -> memref<2048xf32, #tpu.memory_space<vmem>>
    %dma_start3A_66 = arith.constant 0 : i32
    %dma_start3A_67 = tpu.memref_slice %arg5[%dma_start3A_62, %mul3A_2, %dma_start3A_66] : memref<4x64x2048xf32, #tpu.memory_space<hbm>> -> memref<1x1x2048xf32, #tpu.memory_space<hbm>>
    %dma_start3A_68 = tpu.memref_squeeze %dma_start3A_67 : memref<1x1x2048xf32, #tpu.memory_space<hbm>> -> memref<2048xf32, #tpu.memory_space<hbm>>
    %dma_start3A_69 = arith.constant 0 : i32
    %dma_start3A_70 = tpu.memref_slice %arg5[%dma_start3A_62, %mul3A_2, %dma_start3A_69] : memref<4x64x2048xf32, #tpu.memory_space<hbm>> -> memref<1x1x2048xf32, #tpu.memory_space<hbm>>
    %dma_start3A_71 = tpu.memref_squeeze %dma_start3A_70 : memref<1x1x2048xf32, #tpu.memory_space<hbm>> -> memref<2048xf32, #tpu.memory_space<hbm>>
    %dma_start3A_72 = arith.constant 0 : i32
    %dma_start3A_73 = tpu.memref_slice %arg9[%dma_start3A_60, %dma_start3A_61, %dma_start3A_72] : memref<2x4x2048xf32, #tpu.memory_space<vmem>> -> memref<1x1x2048xf32, #tpu.memory_space<vmem>>
    %dma_start3A_74 = tpu.memref_squeeze %dma_start3A_73 : memref<1x1x2048xf32, #tpu.memory_space<vmem>> -> memref<2048xf32, #tpu.memory_space<vmem>>
    tpu.enqueue_dma source(%dma_start3A_74 : memref<2048xf32, #tpu.memory_space<vmem>>) target(%dma_start3A_71 : memref<2048xf32, #tpu.memory_space<hbm>>) target_semaphore(%arg12 : memref<!tpu.dma_semaphore, #tpu.memory_space<semaphore_mem>>)
    %dma_start3A_75 = arith.constant 0 : i32
    %dma_start3A_76 = arith.constant 3 : i32
    %dma_start3A_77 = arith.constant 3 : i32
    %dma_start3A_78 = arith.constant 0 : i32
    %dma_start3A_79 = tpu.memref_slice %arg9[%dma_start3A_75, %dma_start3A_76, %dma_start3A_78] : memref<2x4x2048xf32, #tpu.memory_space<vmem>> -> memref<1x1x2048xf32, #tpu.memory_space<vmem>>
    %dma_start3A_80 = tpu.memref_squeeze %dma_start3A_79 : memref<1x1x2048xf32, #tpu.memory_space<vmem>> -> memref<2048xf32, #tpu.memory_space<vmem>>
    %dma_start3A_81 = arith.constant 0 : i32
    %dma_start3A_82 = tpu.memref_slice %arg5[%dma_start3A_77, %mul3A_2, %dma_start3A_81] : memref<4x64x2048xf32, #tpu.memory_space<hbm>> -> memref<1x1x2048xf32, #tpu.memory_space<hbm>>
    %dma_start3A_83 = tpu.memref_squeeze %dma_start3A_82 : memref<1x1x2048xf32, #tpu.memory_space<hbm>> -> memref<2048xf32, #tpu.memory_space<hbm>>
    %dma_start3A_84 = arith.constant 0 : i32
    %dma_start3A_85 = tpu.memref_slice %arg5[%dma_start3A_77, %mul3A_2, %dma_start3A_84] : memref<4x64x2048xf32, #tpu.memory_space<hbm>> -> memref<1x1x2048xf32, #tpu.memory_space<hbm>>
    %dma_start3A_86 = tpu.memref_squeeze %dma_start3A_85 : memref<1x1x2048xf32, #tpu.memory_space<hbm>> -> memref<2048xf32, #tpu.memory_space<hbm>>
    %dma_start3A_87 = arith.constant 0 : i32
    %dma_start3A_88 = tpu.memref_slice %arg9[%dma_start3A_75, %dma_start3A_76, %dma_start3A_87] : memref<2x4x2048xf32, #tpu.memory_space<vmem>> -> memref<1x1x2048xf32, #tpu.memory_space<vmem>>
    %dma_start3A_89 = tpu.memref_squeeze %dma_start3A_88 : memref<1x1x2048xf32, #tpu.memory_space<vmem>> -> memref<2048xf32, #tpu.memory_space<vmem>>
    tpu.enqueue_dma source(%dma_start3A_89 : memref<2048xf32, #tpu.memory_space<vmem>>) target(%dma_start3A_86 : memref<2048xf32, #tpu.memory_space<hbm>>) target_semaphore(%arg12 : memref<!tpu.dma_semaphore, #tpu.memory_space<semaphore_mem>>)
    %dma_wait3A_90 = arith.constant 0 : i32
    %dma_wait3A_91 = tpu.memref_slice %arg3[%add3A_23, %dma_wait3A_90] : memref<64x100000xf32, #tpu.memory_space<hbm>> -> memref<1x100000xf32, #tpu.memory_space<hbm>>
    %dma_wait3A_92 = tpu.memref_squeeze %dma_wait3A_91 : memref<1x100000xf32, #tpu.memory_space<hbm>> -> memref<100000xf32, #tpu.memory_space<hbm>>
    %dma_wait3A_93 = arith.constant 0 : i32
    %dma_wait3A_94 = tpu.memref_slice %arg3[%add3A_23, %dma_wait3A_93] : memref<64x100000xf32, #tpu.memory_space<hbm>> -> memref<1x100000xf32, #tpu.memory_space<hbm>>
    %dma_wait3A_95 = tpu.memref_squeeze %dma_wait3A_94 : memref<1x100000xf32, #tpu.memory_space<hbm>> -> memref<100000xf32, #tpu.memory_space<hbm>>
    tpu.wait_dma2 semaphore(%arg10 : memref<!tpu.dma_semaphore, #tpu.memory_space<semaphore_mem>>) src(%dma_wait3A_95 : memref<100000xf32, #tpu.memory_space<hbm>>) dst(%arg6 : memref<100000xf32, #tpu.memory_space<vmem>>)
    %semaphore_signal3A_96 = arith.constant 1 : i32
    tpu.sem_signal %arg13, %semaphore_signal3A_96 : memref<!tpu.semaphore, #tpu.memory_space<semaphore_mem>>
    %semaphore_wait3A_97 = arith.constant 1 : i32
    %semaphore_wait3A_98 = arith.constant true
    tpu.sem_wait %arg13, %semaphore_wait3A_97 : memref<!tpu.semaphore, #tpu.memory_space<semaphore_mem>>
    %add3A_99 = arith.constant 1 : i32
    %add3A_100 = arith.addi %mul3A_2, %add3A_99 : i32
    %run_scoped3A = arith.constant 1 : i32
    %run_scoped3A_101 = arith.constant 0 : i32
    %run_scoped3A_102 = arith.constant 0 : i32
    "tpu.region"() ({
      %run_scoped3A_178 = tpu.sem_alloc : memref<!tpu.dma_semaphore, #tpu.memory_space<semaphore_mem>>
      %dma_start3A_179 = arith.constant 0 : i32
      %dma_start3A_180 = tpu.memref_slice %arg9[%run_scoped3A, %run_scoped3A_101, %dma_start3A_179] : memref<2x4x2048xf32, #tpu.memory_space<vmem>> -> memref<1x1x2048xf32, #tpu.memory_space<vmem>>
      %dma_start3A_181 = tpu.memref_squeeze %dma_start3A_180 : memref<1x1x2048xf32, #tpu.memory_space<vmem>> -> memref<2048xf32, #tpu.memory_space<vmem>>
      %dma_start3A_182 = arith.constant 0 : i32
      %dma_start3A_183 = tpu.memref_slice %arg5[%run_scoped3A_102, %add3A_100, %dma_start3A_182] : memref<4x64x2048xf32, #tpu.memory_space<hbm>> -> memref<1x1x2048xf32, #tpu.memory_space<hbm>>
      %dma_start3A_184 = tpu.memref_squeeze %dma_start3A_183 : memref<1x1x2048xf32, #tpu.memory_space<hbm>> -> memref<2048xf32, #tpu.memory_space<hbm>>
      %dma_start3A_185 = arith.constant 0 : i32
      %dma_start3A_186 = tpu.memref_slice %arg5[%run_scoped3A_102, %add3A_100, %dma_start3A_185] : memref<4x64x2048xf32, #tpu.memory_space<hbm>> -> memref<1x1x2048xf32, #tpu.memory_space<hbm>>
      %dma_start3A_187 = tpu.memref_squeeze %dma_start3A_186 : memref<1x1x2048xf32, #tpu.memory_space<hbm>> -> memref<2048xf32, #tpu.memory_space<hbm>>
      %dma_start3A_188 = arith.constant 0 : i32
      %dma_start3A_189 = tpu.memref_slice %arg9[%run_scoped3A, %run_scoped3A_101, %dma_start3A_188] : memref<2x4x2048xf32, #tpu.memory_space<vmem>> -> memref<1x1x2048xf32, #tpu.memory_space<vmem>>
      %dma_start3A_190 = tpu.memref_squeeze %dma_start3A_189 : memref<1x1x2048xf32, #tpu.memory_space<vmem>> -> memref<2048xf32, #tpu.memory_space<vmem>>
      tpu.enqueue_dma source(%dma_start3A_190 : memref<2048xf32, #tpu.memory_space<vmem>>) target(%dma_start3A_187 : memref<2048xf32, #tpu.memory_space<hbm>>) target_semaphore(%run_scoped3A_178 : memref<!tpu.dma_semaphore, #tpu.memory_space<semaphore_mem>>)
      %dma_wait3A_191 = arith.constant 0 : i32
      %dma_wait3A_192 = tpu.memref_slice %arg9[%run_scoped3A, %run_scoped3A_101, %dma_wait3A_191] : memref<2x4x2048xf32, #tpu.memory_space<vmem>> -> memref<1x1x2048xf32, #tpu.memory_space<vmem>>
      %dma_wait3A_193 = tpu.memref_squeeze %dma_wait3A_192 : memref<1x1x2048xf32, #tpu.memory_space<vmem>> -> memref<2048xf32, #tpu.memory_space<vmem>>
      %dma_wait3A_194 = arith.constant 0 : i32
      %dma_wait3A_195 = tpu.memref_slice %arg5[%run_scoped3A_102, %add3A_100, %dma_wait3A_194] : memref<4x64x2048xf32, #tpu.memory_space<hbm>> -> memref<1x1x2048xf32, #tpu.memory_space<hbm>>
      %dma_wait3A_196 = tpu.memref_squeeze %dma_wait3A_195 : memref<1x1x2048xf32, #tpu.memory_space<hbm>> -> memref<2048xf32, #tpu.memory_space<hbm>>
      %dma_wait3A_197 = arith.constant 0 : i32
      %dma_wait3A_198 = tpu.memref_slice %arg5[%run_scoped3A_102, %add3A_100, %dma_wait3A_197] : memref<4x64x2048xf32, #tpu.memory_space<hbm>> -> memref<1x1x2048xf32, #tpu.memory_space<hbm>>
      %dma_wait3A_199 = tpu.memref_squeeze %dma_wait3A_198 : memref<1x1x2048xf32, #tpu.memory_space<hbm>> -> memref<2048xf32, #tpu.memory_space<hbm>>
      %dma_wait3A_200 = arith.constant 0 : i32
      %dma_wait3A_201 = tpu.memref_slice %arg9[%run_scoped3A, %run_scoped3A_101, %dma_wait3A_200] : memref<2x4x2048xf32, #tpu.memory_space<vmem>> -> memref<1x1x2048xf32, #tpu.memory_space<vmem>>
      %dma_wait3A_202 = tpu.memref_squeeze %dma_wait3A_201 : memref<1x1x2048xf32, #tpu.memory_space<vmem>> -> memref<2048xf32, #tpu.memory_space<vmem>>
      tpu.wait_dma2 semaphore(%run_scoped3A_178 : memref<!tpu.dma_semaphore, #tpu.memory_space<semaphore_mem>>) src(%dma_wait3A_202 : memref<2048xf32, #tpu.memory_space<vmem>>) dst(%dma_wait3A_199 : memref<2048xf32, #tpu.memory_space<hbm>>)
      tpu.yield
    }) : () -> ()
    %add3A_103 = arith.constant 1 : i32
    %add3A_104 = arith.addi %mul3A_2, %add3A_103 : i32
    %run_scoped3A_105 = arith.constant 1 : i32
    %run_scoped3A_106 = arith.constant 1 : i32
    %run_scoped3A_107 = arith.constant 1 : i32
    "tpu.region"() ({
      %run_scoped3A_178 = tpu.sem_alloc : memref<!tpu.dma_semaphore, #tpu.memory_space<semaphore_mem>>
      %dma_start3A_179 = arith.constant 0 : i32
      %dma_start3A_180 = tpu.memref_slice %arg9[%run_scoped3A_105, %run_scoped3A_106, %dma_start3A_179] : memref<2x4x2048xf32, #tpu.memory_space<vmem>> -> memref<1x1x2048xf32, #tpu.memory_space<vmem>>
      %dma_start3A_181 = tpu.memref_squeeze %dma_start3A_180 : memref<1x1x2048xf32, #tpu.memory_space<vmem>> -> memref<2048xf32, #tpu.memory_space<vmem>>
      %dma_start3A_182 = arith.constant 0 : i32
      %dma_start3A_183 = tpu.memref_slice %arg5[%run_scoped3A_107, %add3A_104, %dma_start3A_182] : memref<4x64x2048xf32, #tpu.memory_space<hbm>> -> memref<1x1x2048xf32, #tpu.memory_space<hbm>>
      %dma_start3A_184 = tpu.memref_squeeze %dma_start3A_183 : memref<1x1x2048xf32, #tpu.memory_space<hbm>> -> memref<2048xf32, #tpu.memory_space<hbm>>
      %dma_start3A_185 = arith.constant 0 : i32
      %dma_start3A_186 = tpu.memref_slice %arg5[%run_scoped3A_107, %add3A_104, %dma_start3A_185] : memref<4x64x2048xf32, #tpu.memory_space<hbm>> -> memref<1x1x2048xf32, #tpu.memory_space<hbm>>
      %dma_start3A_187 = tpu.memref_squeeze %dma_start3A_186 : memref<1x1x2048xf32, #tpu.memory_space<hbm>> -> memref<2048xf32, #tpu.memory_space<hbm>>
      %dma_start3A_188 = arith.constant 0 : i32
      %dma_start3A_189 = tpu.memref_slice %arg9[%run_scoped3A_105, %run_scoped3A_106, %dma_start3A_188] : memref<2x4x2048xf32, #tpu.memory_space<vmem>> -> memref<1x1x2048xf32, #tpu.memory_space<vmem>>
      %dma_start3A_190 = tpu.memref_squeeze %dma_start3A_189 : memref<1x1x2048xf32, #tpu.memory_space<vmem>> -> memref<2048xf32, #tpu.memory_space<vmem>>
      tpu.enqueue_dma source(%dma_start3A_190 : memref<2048xf32, #tpu.memory_space<vmem>>) target(%dma_start3A_187 : memref<2048xf32, #tpu.memory_space<hbm>>) target_semaphore(%run_scoped3A_178 : memref<!tpu.dma_semaphore, #tpu.memory_space<semaphore_mem>>)
      %dma_wait3A_191 = arith.constant 0 : i32
      %dma_wait3A_192 = tpu.memref_slice %arg9[%run_scoped3A_105, %run_scoped3A_106, %dma_wait3A_191] : memref<2x4x2048xf32, #tpu.memory_space<vmem>> -> memref<1x1x2048xf32, #tpu.memory_space<vmem>>
      %dma_wait3A_193 = tpu.memref_squeeze %dma_wait3A_192 : memref<1x1x2048xf32, #tpu.memory_space<vmem>> -> memref<2048xf32, #tpu.memory_space<vmem>>
      %dma_wait3A_194 = arith.constant 0 : i32
      %dma_wait3A_195 = tpu.memref_slice %arg5[%run_scoped3A_107, %add3A_104, %dma_wait3A_194] : memref<4x64x2048xf32, #tpu.memory_space<hbm>> -> memref<1x1x2048xf32, #tpu.memory_space<hbm>>
      %dma_wait3A_196 = tpu.memref_squeeze %dma_wait3A_195 : memref<1x1x2048xf32, #tpu.memory_space<hbm>> -> memref<2048xf32, #tpu.memory_space<hbm>>
      %dma_wait3A_197 = arith.constant 0 : i32
      %dma_wait3A_198 = tpu.memref_slice %arg5[%run_scoped3A_107, %add3A_104, %dma_wait3A_197] : memref<4x64x2048xf32, #tpu.memory_space<hbm>> -> memref<1x1x2048xf32, #tpu.memory_space<hbm>>
      %dma_wait3A_199 = tpu.memref_squeeze %dma_wait3A_198 : memref<1x1x2048xf32, #tpu.memory_space<hbm>> -> memref<2048xf32, #tpu.memory_space<hbm>>
      %dma_wait3A_200 = arith.constant 0 : i32
      %dma_wait3A_201 = tpu.memref_slice %arg9[%run_scoped3A_105, %run_scoped3A_106, %dma_wait3A_200] : memref<2x4x2048xf32, #tpu.memory_space<vmem>> -> memref<1x1x2048xf32, #tpu.memory_space<vmem>>
      %dma_wait3A_202 = tpu.memref_squeeze %dma_wait3A_201 : memref<1x1x2048xf32, #tpu.memory_space<vmem>> -> memref<2048xf32, #tpu.memory_space<vmem>>
      tpu.wait_dma2 semaphore(%run_scoped3A_178 : memref<!tpu.dma_semaphore, #tpu.memory_space<semaphore_mem>>) src(%dma_wait3A_202 : memref<2048xf32, #tpu.memory_space<vmem>>) dst(%dma_wait3A_199 : memref<2048xf32, #tpu.memory_space<hbm>>)
      tpu.yield
    }) : () -> ()
    %add3A_108 = arith.constant 1 : i32
    %add3A_109 = arith.addi %mul3A_2, %add3A_108 : i32
    %run_scoped3A_110 = arith.constant 1 : i32
    %run_scoped3A_111 = arith.constant 2 : i32
    %run_scoped3A_112 = arith.constant 2 : i32
    "tpu.region"() ({
      %run_scoped3A_178 = tpu.sem_alloc : memref<!tpu.dma_semaphore, #tpu.memory_space<semaphore_mem>>
      %dma_start3A_179 = arith.constant 0 : i32
      %dma_start3A_180 = tpu.memref_slice %arg9[%run_scoped3A_110, %run_scoped3A_111, %dma_start3A_179] : memref<2x4x2048xf32, #tpu.memory_space<vmem>> -> memref<1x1x2048xf32, #tpu.memory_space<vmem>>
      %dma_start3A_181 = tpu.memref_squeeze %dma_start3A_180 : memref<1x1x2048xf32, #tpu.memory_space<vmem>> -> memref<2048xf32, #tpu.memory_space<vmem>>
      %dma_start3A_182 = arith.constant 0 : i32
      %dma_start3A_183 = tpu.memref_slice %arg5[%run_scoped3A_112, %add3A_109, %dma_start3A_182] : memref<4x64x2048xf32, #tpu.memory_space<hbm>> -> memref<1x1x2048xf32, #tpu.memory_space<hbm>>
      %dma_start3A_184 = tpu.memref_squeeze %dma_start3A_183 : memref<1x1x2048xf32, #tpu.memory_space<hbm>> -> memref<2048xf32, #tpu.memory_space<hbm>>
      %dma_start3A_185 = arith.constant 0 : i32
      %dma_start3A_186 = tpu.memref_slice %arg5[%run_scoped3A_112, %add3A_109, %dma_start3A_185] : memref<4x64x2048xf32, #tpu.memory_space<hbm>> -> memref<1x1x2048xf32, #tpu.memory_space<hbm>>
      %dma_start3A_187 = tpu.memref_squeeze %dma_start3A_186 : memref<1x1x2048xf32, #tpu.memory_space<hbm>> -> memref<2048xf32, #tpu.memory_space<hbm>>
      %dma_start3A_188 = arith.constant 0 : i32
      %dma_start3A_189 = tpu.memref_slice %arg9[%run_scoped3A_110, %run_scoped3A_111, %dma_start3A_188] : memref<2x4x2048xf32, #tpu.memory_space<vmem>> -> memref<1x1x2048xf32, #tpu.memory_space<vmem>>
      %dma_start3A_190 = tpu.memref_squeeze %dma_start3A_189 : memref<1x1x2048xf32, #tpu.memory_space<vmem>> -> memref<2048xf32, #tpu.memory_space<vmem>>
      tpu.enqueue_dma source(%dma_start3A_190 : memref<2048xf32, #tpu.memory_space<vmem>>) target(%dma_start3A_187 : memref<2048xf32, #tpu.memory_space<hbm>>) target_semaphore(%run_scoped3A_178 : memref<!tpu.dma_semaphore, #tpu.memory_space<semaphore_mem>>)
      %dma_wait3A_191 = arith.constant 0 : i32
      %dma_wait3A_192 = tpu.memref_slice %arg9[%run_scoped3A_110, %run_scoped3A_111, %dma_wait3A_191] : memref<2x4x2048xf32, #tpu.memory_space<vmem>> -> memref<1x1x2048xf32, #tpu.memory_space<vmem>>
      %dma_wait3A_193 = tpu.memref_squeeze %dma_wait3A_192 : memref<1x1x2048xf32, #tpu.memory_space<vmem>> -> memref<2048xf32, #tpu.memory_space<vmem>>
      %dma_wait3A_194 = arith.constant 0 : i32
      %dma_wait3A_195 = tpu.memref_slice %arg5[%run_scoped3A_112, %add3A_109, %dma_wait3A_194] : memref<4x64x2048xf32, #tpu.memory_space<hbm>> -> memref<1x1x2048xf32, #tpu.memory_space<hbm>>
      %dma_wait3A_196 = tpu.memref_squeeze %dma_wait3A_195 : memref<1x1x2048xf32, #tpu.memory_space<hbm>> -> memref<2048xf32, #tpu.memory_space<hbm>>
      %dma_wait3A_197 = arith.constant 0 : i32
      %dma_wait3A_198 = tpu.memref_slice %arg5[%run_scoped3A_112, %add3A_109, %dma_wait3A_197] : memref<4x64x2048xf32, #tpu.memory_space<hbm>> -> memref<1x1x2048xf32, #tpu.memory_space<hbm>>
      %dma_wait3A_199 = tpu.memref_squeeze %dma_wait3A_198 : memref<1x1x2048xf32, #tpu.memory_space<hbm>> -> memref<2048xf32, #tpu.memory_space<hbm>>
      %dma_wait3A_200 = arith.constant 0 : i32
      %dma_wait3A_201 = tpu.memref_slice %arg9[%run_scoped3A_110, %run_scoped3A_111, %dma_wait3A_200] : memref<2x4x2048xf32, #tpu.memory_space<vmem>> -> memref<1x1x2048xf32, #tpu.memory_space<vmem>>
      %dma_wait3A_202 = tpu.memref_squeeze %dma_wait3A_201 : memref<1x1x2048xf32, #tpu.memory_space<vmem>> -> memref<2048xf32, #tpu.memory_space<vmem>>
      tpu.wait_dma2 semaphore(%run_scoped3A_178 : memref<!tpu.dma_semaphore, #tpu.memory_space<semaphore_mem>>) src(%dma_wait3A_202 : memref<2048xf32, #tpu.memory_space<vmem>>) dst(%dma_wait3A_199 : memref<2048xf32, #tpu.memory_space<hbm>>)
      tpu.yield
    }) : () -> ()
    %add3A_113 = arith.constant 1 : i32
    %add3A_114 = arith.addi %mul3A_2, %add3A_113 : i32
    %run_scoped3A_115 = arith.constant 1 : i32
    %run_scoped3A_116 = arith.constant 3 : i32
    %run_scoped3A_117 = arith.constant 3 : i32
    "tpu.region"() ({
      %run_scoped3A_178 = tpu.sem_alloc : memref<!tpu.dma_semaphore, #tpu.memory_space<semaphore_mem>>
      %dma_start3A_179 = arith.constant 0 : i32
      %dma_start3A_180 = tpu.memref_slice %arg9[%run_scoped3A_115, %run_scoped3A_116, %dma_start3A_179] : memref<2x4x2048xf32, #tpu.memory_space<vmem>> -> memref<1x1x2048xf32, #tpu.memory_space<vmem>>
      %dma_start3A_181 = tpu.memref_squeeze %dma_start3A_180 : memref<1x1x2048xf32, #tpu.memory_space<vmem>> -> memref<2048xf32, #tpu.memory_space<vmem>>
      %dma_start3A_182 = arith.constant 0 : i32
      %dma_start3A_183 = tpu.memref_slice %arg5[%run_scoped3A_117, %add3A_114, %dma_start3A_182] : memref<4x64x2048xf32, #tpu.memory_space<hbm>> -> memref<1x1x2048xf32, #tpu.memory_space<hbm>>
      %dma_start3A_184 = tpu.memref_squeeze %dma_start3A_183 : memref<1x1x2048xf32, #tpu.memory_space<hbm>> -> memref<2048xf32, #tpu.memory_space<hbm>>
      %dma_start3A_185 = arith.constant 0 : i32
      %dma_start3A_186 = tpu.memref_slice %arg5[%run_scoped3A_117, %add3A_114, %dma_start3A_185] : memref<4x64x2048xf32, #tpu.memory_space<hbm>> -> memref<1x1x2048xf32, #tpu.memory_space<hbm>>
      %dma_start3A_187 = tpu.memref_squeeze %dma_start3A_186 : memref<1x1x2048xf32, #tpu.memory_space<hbm>> -> memref<2048xf32, #tpu.memory_space<hbm>>
      %dma_start3A_188 = arith.constant 0 : i32
      %dma_start3A_189 = tpu.memref_slice %arg9[%run_scoped3A_115, %run_scoped3A_116, %dma_start3A_188] : memref<2x4x2048xf32, #tpu.memory_space<vmem>> -> memref<1x1x2048xf32, #tpu.memory_space<vmem>>
      %dma_start3A_190 = tpu.memref_squeeze %dma_start3A_189 : memref<1x1x2048xf32, #tpu.memory_space<vmem>> -> memref<2048xf32, #tpu.memory_space<vmem>>
      tpu.enqueue_dma source(%dma_start3A_190 : memref<2048xf32, #tpu.memory_space<vmem>>) target(%dma_start3A_187 : memref<2048xf32, #tpu.memory_space<hbm>>) target_semaphore(%run_scoped3A_178 : memref<!tpu.dma_semaphore, #tpu.memory_space<semaphore_mem>>)
      %dma_wait3A_191 = arith.constant 0 : i32
      %dma_wait3A_192 = tpu.memref_slice %arg9[%run_scoped3A_115, %run_scoped3A_116, %dma_wait3A_191] : memref<2x4x2048xf32, #tpu.memory_space<vmem>> -> memref<1x1x2048xf32, #tpu.memory_space<vmem>>
      %dma_wait3A_193 = tpu.memref_squeeze %dma_wait3A_192 : memref<1x1x2048xf32, #tpu.memory_space<vmem>> -> memref<2048xf32, #tpu.memory_space<vmem>>
      %dma_wait3A_194 = arith.constant 0 : i32
      %dma_wait3A_195 = tpu.memref_slice %arg5[%run_scoped3A_117, %add3A_114, %dma_wait3A_194] : memref<4x64x2048xf32, #tpu.memory_space<hbm>> -> memref<1x1x2048xf32, #tpu.memory_space<hbm>>
      %dma_wait3A_196 = tpu.memref_squeeze %dma_wait3A_195 : memref<1x1x2048xf32, #tpu.memory_space<hbm>> -> memref<2048xf32, #tpu.memory_space<hbm>>
      %dma_wait3A_197 = arith.constant 0 : i32
      %dma_wait3A_198 = tpu.memref_slice %arg5[%run_scoped3A_117, %add3A_114, %dma_wait3A_197] : memref<4x64x2048xf32, #tpu.memory_space<hbm>> -> memref<1x1x2048xf32, #tpu.memory_space<hbm>>
      %dma_wait3A_199 = tpu.memref_squeeze %dma_wait3A_198 : memref<1x1x2048xf32, #tpu.memory_space<hbm>> -> memref<2048xf32, #tpu.memory_space<hbm>>
      %dma_wait3A_200 = arith.constant 0 : i32
      %dma_wait3A_201 = tpu.memref_slice %arg9[%run_scoped3A_115, %run_scoped3A_116, %dma_wait3A_200] : memref<2x4x2048xf32, #tpu.memory_space<vmem>> -> memref<1x1x2048xf32, #tpu.memory_space<vmem>>
      %dma_wait3A_202 = tpu.memref_squeeze %dma_wait3A_201 : memref<1x1x2048xf32, #tpu.memory_space<vmem>> -> memref<2048xf32, #tpu.memory_space<vmem>>
      tpu.wait_dma2 semaphore(%run_scoped3A_178 : memref<!tpu.dma_semaphore, #tpu.memory_space<semaphore_mem>>) src(%dma_wait3A_202 : memref<2048xf32, #tpu.memory_space<vmem>>) dst(%dma_wait3A_199 : memref<2048xf32, #tpu.memory_space<hbm>>)
      tpu.yield
    }) : () -> ()
    %dma_wait3A_118 = arith.constant 0 : i32
    %dma_wait3A_119 = arith.constant 0 : i32
    %dma_wait3A_120 = arith.constant 0 : i32
    %dma_wait3A_121 = arith.constant 0 : i32
    %dma_wait3A_122 = tpu.memref_slice %arg9[%dma_wait3A_118, %dma_wait3A_119, %dma_wait3A_121] : memref<2x4x2048xf32, #tpu.memory_space<vmem>> -> memref<1x1x2048xf32, #tpu.memory_space<vmem>>
    %dma_wait3A_123 = tpu.memref_squeeze %dma_wait3A_122 : memref<1x1x2048xf32, #tpu.memory_space<vmem>> -> memref<2048xf32, #tpu.memory_space<vmem>>
    %dma_wait3A_124 = arith.constant 0 : i32
    %dma_wait3A_125 = tpu.memref_slice %arg5[%dma_wait3A_120, %mul3A_2, %dma_wait3A_124] : memref<4x64x2048xf32, #tpu.memory_space<hbm>> -> memref<1x1x2048xf32, #tpu.memory_space<hbm>>
    %dma_wait3A_126 = tpu.memref_squeeze %dma_wait3A_125 : memref<1x1x2048xf32, #tpu.memory_space<hbm>> -> memref<2048xf32, #tpu.memory_space<hbm>>
    %dma_wait3A_127 = arith.constant 0 : i32
    %dma_wait3A_128 = tpu.memref_slice %arg5[%dma_wait3A_120, %mul3A_2, %dma_wait3A_127] : memref<4x64x2048xf32, #tpu.memory_space<hbm>> -> memref<1x1x2048xf32, #tpu.memory_space<hbm>>
    %dma_wait3A_129 = tpu.memref_squeeze %dma_wait3A_128 : memref<1x1x2048xf32, #tpu.memory_space<hbm>> -> memref<2048xf32, #tpu.memory_space<hbm>>
    %dma_wait3A_130 = arith.constant 0 : i32
    %dma_wait3A_131 = tpu.memref_slice %arg9[%dma_wait3A_118, %dma_wait3A_119, %dma_wait3A_130] : memref<2x4x2048xf32, #tpu.memory_space<vmem>> -> memref<1x1x2048xf32, #tpu.memory_space<vmem>>
    %dma_wait3A_132 = tpu.memref_squeeze %dma_wait3A_131 : memref<1x1x2048xf32, #tpu.memory_space<vmem>> -> memref<2048xf32, #tpu.memory_space<vmem>>
    tpu.wait_dma2 semaphore(%arg12 : memref<!tpu.dma_semaphore, #tpu.memory_space<semaphore_mem>>) src(%dma_wait3A_132 : memref<2048xf32, #tpu.memory_space<vmem>>) dst(%dma_wait3A_129 : memref<2048xf32, #tpu.memory_space<hbm>>)
    %dma_wait3A_133 = arith.constant 0 : i32
    %dma_wait3A_134 = arith.constant 1 : i32
    %dma_wait3A_135 = arith.constant 1 : i32
    %dma_wait3A_136 = arith.constant 0 : i32
    %dma_wait3A_137 = tpu.memref_slice %arg9[%dma_wait3A_133, %dma_wait3A_134, %dma_wait3A_136] : memref<2x4x2048xf32, #tpu.memory_space<vmem>> -> memref<1x1x2048xf32, #tpu.memory_space<vmem>>
    %dma_wait3A_138 = tpu.memref_squeeze %dma_wait3A_137 : memref<1x1x2048xf32, #tpu.memory_space<vmem>> -> memref<2048xf32, #tpu.memory_space<vmem>>
    %dma_wait3A_139 = arith.constant 0 : i32
    %dma_wait3A_140 = tpu.memref_slice %arg5[%dma_wait3A_135, %mul3A_2, %dma_wait3A_139] : memref<4x64x2048xf32, #tpu.memory_space<hbm>> -> memref<1x1x2048xf32, #tpu.memory_space<hbm>>
    %dma_wait3A_141 = tpu.memref_squeeze %dma_wait3A_140 : memref<1x1x2048xf32, #tpu.memory_space<hbm>> -> memref<2048xf32, #tpu.memory_space<hbm>>
    %dma_wait3A_142 = arith.constant 0 : i32
    %dma_wait3A_143 = tpu.memref_slice %arg5[%dma_wait3A_135, %mul3A_2, %dma_wait3A_142] : memref<4x64x2048xf32, #tpu.memory_space<hbm>> -> memref<1x1x2048xf32, #tpu.memory_space<hbm>>
    %dma_wait3A_144 = tpu.memref_squeeze %dma_wait3A_143 : memref<1x1x2048xf32, #tpu.memory_space<hbm>> -> memref<2048xf32, #tpu.memory_space<hbm>>
    %dma_wait3A_145 = arith.constant 0 : i32
    %dma_wait3A_146 = tpu.memref_slice %arg9[%dma_wait3A_133, %dma_wait3A_134, %dma_wait3A_145] : memref<2x4x2048xf32, #tpu.memory_space<vmem>> -> memref<1x1x2048xf32, #tpu.memory_space<vmem>>
    %dma_wait3A_147 = tpu.memref_squeeze %dma_wait3A_146 : memref<1x1x2048xf32, #tpu.memory_space<vmem>> -> memref<2048xf32, #tpu.memory_space<vmem>>
    tpu.wait_dma2 semaphore(%arg12 : memref<!tpu.dma_semaphore, #tpu.memory_space<semaphore_mem>>) src(%dma_wait3A_147 : memref<2048xf32, #tpu.memory_space<vmem>>) dst(%dma_wait3A_144 : memref<2048xf32, #tpu.memory_space<hbm>>)
    %dma_wait3A_148 = arith.constant 0 : i32
    %dma_wait3A_149 = arith.constant 2 : i32
    %dma_wait3A_150 = arith.constant 2 : i32
    %dma_wait3A_151 = arith.constant 0 : i32
    %dma_wait3A_152 = tpu.memref_slice %arg9[%dma_wait3A_148, %dma_wait3A_149, %dma_wait3A_151] : memref<2x4x2048xf32, #tpu.memory_space<vmem>> -> memref<1x1x2048xf32, #tpu.memory_space<vmem>>
    %dma_wait3A_153 = tpu.memref_squeeze %dma_wait3A_152 : memref<1x1x2048xf32, #tpu.memory_space<vmem>> -> memref<2048xf32, #tpu.memory_space<vmem>>
    %dma_wait3A_154 = arith.constant 0 : i32
    %dma_wait3A_155 = tpu.memref_slice %arg5[%dma_wait3A_150, %mul3A_2, %dma_wait3A_154] : memref<4x64x2048xf32, #tpu.memory_space<hbm>> -> memref<1x1x2048xf32, #tpu.memory_space<hbm>>
    %dma_wait3A_156 = tpu.memref_squeeze %dma_wait3A_155 : memref<1x1x2048xf32, #tpu.memory_space<hbm>> -> memref<2048xf32, #tpu.memory_space<hbm>>
    %dma_wait3A_157 = arith.constant 0 : i32
    %dma_wait3A_158 = tpu.memref_slice %arg5[%dma_wait3A_150, %mul3A_2, %dma_wait3A_157] : memref<4x64x2048xf32, #tpu.memory_space<hbm>> -> memref<1x1x2048xf32, #tpu.memory_space<hbm>>
    %dma_wait3A_159 = tpu.memref_squeeze %dma_wait3A_158 : memref<1x1x2048xf32, #tpu.memory_space<hbm>> -> memref<2048xf32, #tpu.memory_space<hbm>>
    %dma_wait3A_160 = arith.constant 0 : i32
    %dma_wait3A_161 = tpu.memref_slice %arg9[%dma_wait3A_148, %dma_wait3A_149, %dma_wait3A_160] : memref<2x4x2048xf32, #tpu.memory_space<vmem>> -> memref<1x1x2048xf32, #tpu.memory_space<vmem>>
    %dma_wait3A_162 = tpu.memref_squeeze %dma_wait3A_161 : memref<1x1x2048xf32, #tpu.memory_space<vmem>> -> memref<2048xf32, #tpu.memory_space<vmem>>
    tpu.wait_dma2 semaphore(%arg12 : memref<!tpu.dma_semaphore, #tpu.memory_space<semaphore_mem>>) src(%dma_wait3A_162 : memref<2048xf32, #tpu.memory_space<vmem>>) dst(%dma_wait3A_159 : memref<2048xf32, #tpu.memory_space<hbm>>)
    %dma_wait3A_163 = arith.constant 0 : i32
    %dma_wait3A_164 = arith.constant 3 : i32
    %dma_wait3A_165 = arith.constant 3 : i32
    %dma_wait3A_166 = arith.constant 0 : i32
    %dma_wait3A_167 = tpu.memref_slice %arg9[%dma_wait3A_163, %dma_wait3A_164, %dma_wait3A_166] : memref<2x4x2048xf32, #tpu.memory_space<vmem>> -> memref<1x1x2048xf32, #tpu.memory_space<vmem>>
    %dma_wait3A_168 = tpu.memref_squeeze %dma_wait3A_167 : memref<1x1x2048xf32, #tpu.memory_space<vmem>> -> memref<2048xf32, #tpu.memory_space<vmem>>
    %dma_wait3A_169 = arith.constant 0 : i32
    %dma_wait3A_170 = tpu.memref_slice %arg5[%dma_wait3A_165, %mul3A_2, %dma_wait3A_169] : memref<4x64x2048xf32, #tpu.memory_space<hbm>> -> memref<1x1x2048xf32, #tpu.memory_space<hbm>>
    %dma_wait3A_171 = tpu.memref_squeeze %dma_wait3A_170 : memref<1x1x2048xf32, #tpu.memory_space<hbm>> -> memref<2048xf32, #tpu.memory_space<hbm>>
    %dma_wait3A_172 = arith.constant 0 : i32
    %dma_wait3A_173 = tpu.memref_slice %arg5[%dma_wait3A_165, %mul3A_2, %dma_wait3A_172] : memref<4x64x2048xf32, #tpu.memory_space<hbm>> -> memref<1x1x2048xf32, #tpu.memory_space<hbm>>
    %dma_wait3A_174 = tpu.memref_squeeze %dma_wait3A_173 : memref<1x1x2048xf32, #tpu.memory_space<hbm>> -> memref<2048xf32, #tpu.memory_space<hbm>>
    %dma_wait3A_175 = arith.constant 0 : i32
    %dma_wait3A_176 = tpu.memref_slice %arg9[%dma_wait3A_163, %dma_wait3A_164, %dma_wait3A_175] : memref<2x4x2048xf32, #tpu.memory_space<vmem>> -> memref<1x1x2048xf32, #tpu.memory_space<vmem>>
    %dma_wait3A_177 = tpu.memref_squeeze %dma_wait3A_176 : memref<1x1x2048xf32, #tpu.memory_space<vmem>> -> memref<2048xf32, #tpu.memory_space<vmem>>
    tpu.wait_dma2 semaphore(%arg12 : memref<!tpu.dma_semaphore, #tpu.memory_space<semaphore_mem>>) src(%dma_wait3A_177 : memref<2048xf32, #tpu.memory_space<vmem>>) dst(%dma_wait3A_174 : memref<2048xf32, #tpu.memory_space<hbm>>)
    return
  }
}

</mosaic_0001>

<sc_bundles>
// kernel: kernel.3.cloned.1.call-start
scs
__scs_entry_jumppad:
0x0: {  	(pc) =	sbr.rel $0x88, $3  }
0x1: {  	(tag) =	ssettag $0x0;
	lr =	simm.s32 $0x1  }
0x2: {  	[smem:$0x3F9E] =	sst lr;
	_ =	strace $0xD0000000  }
0x3: {  	_ = 	snop  }
0x4: {  	_ = 	snop  }
0x5: {  	_ = 	snop  }
0x6: {  	_ = 	snop  }
0x7: {  	_ = 	snop  }
__scs_overlays_trampoline_lowered:
0x8: {  	[smem:$0x3FAD] =	sst s0  }
0x9: {  	[smem:$0x3FAE] =	sst s1  }
0xa: {  	[smem:$0x3FAF] =	sst s2  }
0xb: {  	[smem:$0x3FB0] =	sst s3  }
0xc: {  	[smem:$0x3FB1] =	sst s4  }
0xd: {  	[smem:$0x3FB2] =	sst s5  }
0xe: {  	[smem:$0x3FB3] =	sst s6  }
0xf: {  	[smem:$0x3FB4] =	sst s7  }
0x10: {  	[smem:$0x3FB5] =	sst s8  }
0x11: {  	[smem:$0x3FB6] =	sst s9;
	s0 =	simm.s32 @!p0 $0x0  }
0x12: {  	s1 =	sld [smem:$0x3F9C];
	s0 =	simm.s32 @p0 $0x1  }
0x13: {  	[smem:$0x3FB7] =	sst s0;
	s0 =	simm.s32 @!p1 $0x0  }
0x14: {  	s2 =	sld [smem:$0x3F9B];
	s0 =	simm.s32 @p1 $0x1  }
0x15: {  	[smem:$0x3FB8] =	sst s0;
	s0 =	simm.s32 @!p2 $0x0  }
0x16: {  	s3 =	sld [smem:$0x3FDB];
	s0 =	simm.s32 @p2 $0x1  }
0x17: {  	s4 =	simm.s32 $0x1BF5;
	[smem:$0x3FBA] =	sst s0  }
0x18: {  	s0 =	sld [smem:$0x3F9D];
	_ =	swait.ge [sflag:s4], $0x0  }
0x19: {  	s7 =	sld [smem:$0x3F9E]  }
0x1a: {  	s8 =	sadd.s32 $0xFFFFE003, lr  }
0x1b: {  	s9 =	sadd.s32 $0xFFFFFEF7, lr;
	s5 =	simm.s32 $0xFFFFFFFF;
	p2 =	slt.u32 s8, $0xFFFFF086  }
0x1c: {  	p1 =	slt.u32 s9, $0xF7A;
	s5 =	simm.s32 @!p2 $0x0  }
0x1d: {  	s5 =	simm.s32 @p1 $0x1;
	p0 =	seq.s32 s7, s2  }
0x1e: {  	s7 =	smul.u32 @!p0 $0xF7A, s2;
	p2 =	seq.s32 @!p0 s5, $0x0  }
0x1f: {  	s9 =	smul.u32 $0xF7A, s1;
	s8 =	simm.s32 @!p0 $0x1BF5;
	p2 =	por !p2, p0  }
0x20: {  	[sflag:s8] =	ssyncset.s32 @!p0 $0xFFFFF086;
	s6 =	sadd.s32 @!p0 s3, s7;
	s7 =	simm.s32 @!p0 $0x108  }
0x21: {  	s3 =	sadd.s32 s3, s9;
	s6 =	sadd.s32 @!p0 $0x88, s6;
	s7 =	simm.s32 @p2 $0x1082  }
0x22: {  	[simem:s7], [sflag:s8] =	dma.local @!p0 [hbm:s6], $0xF7A  }
0x23: {  	s9 =	sor.u32 $0xD0000000, s2;
	s6 =	simm.s32 $0x108;
	_ =	swait.ge @!p0 [sflag:s8], $0x0  }
0x24: {  	s3 =	sadd.s32 $0x88, s3;
	s6 =	simm.s32 @!p1 $0x1082;
	[sflag:s4] =	ssyncset.s32 $0xFFFFF086  }
0x25: {  	[simem:s6], [sflag:s4] =	dma.local [hbm:s3], $0xF7A  }
0x26: {  	[smem:$0x3F9E] =	sst s1;
	(tag) =	ssettag s2;
	_ =	strace s9  }
0x27: {  	s1 =	sld [smem:$0x3FAE]  }
0x28: {  	s2 =	sld [smem:$0x3FAF]  }
0x29: {  	s4 =	sld [smem:$0x3FB1]  }
0x2a: {  	p0 =	seq.s32 s5, $0x0;
	s5 =	sld [smem:$0x3FB2]  }
0x2b: {  	s6 =	sld [smem:$0x3FB3]  }
0x2c: {  	s7 =	sld [smem:$0x3FB4]  }
0x2d: {  	s3 =	simm.s32 $0x108;
	s8 =	sld [smem:$0x3FB5]  }
0x2e: {  	s3 =	simm.s32 @!p0 $0x1082;
	s9 =	sld [smem:$0x3FB6]  }
0x2f: {  	lr =	sadd.s32 s0, s3;
	s0 =	sld [smem:$0x3FAD]  }
0x30: {  	s3 =	sld [smem:$0x3FB0]  }
0x31: {  	[smem:$0x3FB9] =	sst s10  }
0x32: {  	s10 =	sld [smem:$0x3FB7];
	_ =	sdelay $0x3  }
0x33: {  	p0 =	seq.s32 s10, $0x1;
	s10 =	sld [smem:$0x3FB9];
	_ =	sdelay $0x3  }
0x34: {  	[smem:$0x3FB9] =	sst s10  }
0x35: {  	s10 =	sld [smem:$0x3FB8];
	_ =	sdelay $0x3  }
0x36: {  	p1 =	seq.s32 s10, $0x1;
	s10 =	sld [smem:$0x3FB9];
	_ =	sdelay $0x3  }
0x37: {  	[smem:$0x3FB9] =	sst s10  }
0x38: {  	s10 =	sld [smem:$0x3FBA]  }
0x39: {  	_ = 	snop;
	(pc) =	sbr.ind lr, $3  }
0x3a: {  	_ = 	snop  }
0x3b: {  	_ = 	snop  }
0x3c: {  	p2 =	seq.s32 s10, $0x1;
	s10 =	sld [smem:$0x3FB9]  }
0x3d: {  	_ =	shalt  }
0x3e: {  	_ =	shalt  }
0x3f: {  	_ =	shalt  }
0x40: {  	_ =	shalt  }
0x41: {  	_ =	shalt  }
0x42: {  	_ =	shalt  }
0x43: {  	_ =	shalt  }
0x44: {  	_ =	shalt  }
0x45: {  	_ =	shalt  }
0x46: {  	_ =	shalt  }
0x47: {  	_ =	shalt  }
0x48: {  	_ =	shalt  }
0x49: {  	_ =	shalt  }
0x4a: {  	_ =	shalt  }
0x4b: {  	_ =	shalt  }
0x4c: {  	_ =	shalt  }
0x4d: {  	_ =	shalt  }
0x4e: {  	_ =	shalt  }
0x4f: {  	_ =	shalt  }
0x50: {  	_ =	shalt  }
0x51: {  	_ =	shalt  }
0x52: {  	_ =	shalt  }
0x53: {  	_ =	shalt  }
0x54: {  	_ =	shalt  }
0x55: {  	_ =	shalt  }
0x56: {  	_ =	shalt  }
0x57: {  	_ =	shalt  }
0x58: {  	_ =	shalt  }
0x59: {  	_ =	shalt  }
0x5a: {  	_ =	shalt  }
0x5b: {  	_ =	shalt  }
0x5c: {  	_ =	shalt  }
0x5d: {  	_ =	shalt  }
0x5e: {  	_ =	shalt  }
0x5f: {  	_ =	shalt  }
0x60: {  	_ =	shalt  }
0x61: {  	_ =	shalt  }
0x62: {  	_ =	shalt  }
0x63: {  	_ =	shalt  }
0x64: {  	_ =	shalt  }
0x65: {  	_ =	shalt  }
0x66: {  	_ =	shalt  }
0x67: {  	_ =	shalt  }
0x68: {  	_ =	shalt  }
0x69: {  	_ =	shalt  }
0x6a: {  	_ =	shalt  }
0x6b: {  	_ =	shalt  }
0x6c: {  	_ =	shalt  }
0x6d: {  	_ =	shalt  }
0x6e: {  	_ =	shalt  }
0x6f: {  	_ =	shalt  }
0x70: {  	_ =	shalt  }
0x71: {  	_ =	shalt  }
0x72: {  	_ =	shalt  }
0x73: {  	_ =	shalt  }
0x74: {  	_ =	shalt  }
0x75: {  	_ =	shalt  }
0x76: {  	_ =	shalt  }
0x77: {  	_ =	shalt  }
0x78: {  	_ =	shalt  }
0x79: {  	_ =	shalt  }
0x7a: {  	_ =	shalt  }
0x7b: {  	_ =	shalt  }
0x7c: {  	_ =	shalt  }
0x7d: {  	_ =	shalt  }
0x7e: {  	_ =	shalt  }
0x7f: {  	_ =	shalt  }
0x80: {  	_ =	shalt  }
0x81: {  	_ =	shalt  }
0x82: {  	_ =	shalt  }
0x83: {  	_ =	shalt  }
0x84: {  	_ =	shalt  }
0x85: {  	_ =	shalt  }
0x86: {  	_ =	shalt  }
0x87: {  	_ =	shalt  }
.Lfunc_end0:
.L_simem_size_0:
called_computation_lowered:
.L_overlay_start_0:
0x88: {  	s2 =	sld [smem:$0x3FD9]  }
0x89: {  	s3 =	sld [smem:$0x3FFE];
	_ =	sdelay $0x1  }
0x8a: {  	s1 =	srdreg.scid  }
0x8b: {  	s0 =	sand.u32 $0x1, s1  }
0x8c: {  	s18 =	sshll.u32 s0, $0xA;
	s2 =	sadd.s32 s3, s2  }
0x8d: {  	s2 =	sadd.s32 s2, s18  }
0x8e: {  	[smem:$0x3FC5] =	sst s2  }
0x8f: {  	_ = 	snop  }
0x90: {  	s2 =	sld [smem:$0x3FC9]  }
0x91: {  	s19 =	sld [smem:$0x3FC8]  }
0x92: {  	s4 =	sld [smem:$0x3FC7]  }
0x93: {  	s5 =	sld [smem:$0x3FD0];
	(tm) =	ssettm $0x1  }
0x94: {  	s6 =	sld [smem:$0x3FFB];
	_ =	sdelay $0x3  }
0x95: {  	_ =	strace s6  }
0x96: {  	s6 =	sld [smem:$0x3FFC];
	_ =	sdelay $0x3  }
0x97: {  	_ =	strace s6  }
0x98: {  	s6 =	sld [smem:$0x3FFD];
	_ =	sdelay $0x3  }
0x99: {  	_ =	strace s6  }
0x9a: {  	_ =	strace $0x8FFFFFFF  }
0x9b: {  	s20 =	sld [smem:$0x3FDB];
	_ =	sdelay $0x1  }
0x9c: {  	s7 =	simm.s32 $_scs_section_size  }
0x9d: {  	s8 =	simm.s32 $_size__tile_overlayer_lowered;
	s9 =	simm.s32 $_tile_overlayer_lowered  }
0x9e: {  	s23 =	simm.s32 $0x1BFF;
	s22 =	sshll.u32 s9, $0x1;
	s6 =	sadd.s32 s7, s20  }
0x9f: {  	s10 =	simm.s32 $0x0;
	s21 =	sshll.u32 s8, $0x1;
	s8 =	sadd.s32 s22, s6  }
0xa0: {  	[timem:s10], [sflag:s23] =	dma.local [hbm:s8], s21  }
0xa1: {  	_ =	swait.ge [sflag:s23], s21  }
0xa2: {  	s7 =	ssub.s32 $0x0, s21;
	[sflag:s23] =	ssyncset.done $0x0  }
0xa3: {  	[sflag:s23] =	ssyncadd.s32 s7;
	_ =	sdelay $0x1  }
0xa4: {  	s24 =	simm.s32 $0x1B8B  }
0xa5: {  	_ =	swait.ge [sflag:s24], $0x1  }
0xa6: {  	[sflag:s24] =	ssyncset.done $0x0  }
0xa7: {  	s25 =	simm.s32 $0x1B8E;
	[sflag:s24] =	ssyncadd.s32 $0xFFFFFFFF  }
0xa8: {  	s26 =	simm.s32 $execute0_lowered;
	[smem:$0x3FD2] =	sst s25  }
0xa9: {  	s7 =	sshll.u32 s26, $0x1;
	_ =	strace $0x80000046;
	[dreg:$0x1] =	wrdreg $0xFFFFFFFF  }
0xaa: {  	s28 =	simm.s32 $_size_execute0_lowered;
	s6 =	sadd.s32 s6, s7;
	[dreg:$0x0] =	wrdreg $0x0  }
0xab: {  	s7 =	sshll.u32 s28, $0x1;
	[dreg:$0x2] =	wrdreg s6  }
0xac: {  	[dreg:$0x3] =	wrdreg s7  }
0xad: {  	[dreg:$0x4] =	wrdreg $0xC0  }
0xae: {  	_ =	task [dreg:s10], $0x5FFFF  }
0xaf: {  	[dreg:$0x1] =	wrdreg $0xFFFFFFFF  }
0xb0: {  	[dreg:$0x0] =	wrdreg $0x60  }
0xb1: {  	[dreg:$0x2] =	wrdreg s2  }
0xb2: {  	[dreg:$0x3] =	wrdreg s19  }
0xb3: {  	[dreg:$0x4] =	wrdreg s4  }
0xb4: {  	[dreg:$0x5] =	wrdreg s5  }
0xb5: {  	[dreg:$0x6] =	wrdreg $0x9  }
0xb6: {  	_ =	task.clear_ibuf [dreg:s10], $0x7FFFF;
	_ =	strace $0x90000046  }
0xb7: {  	s29 =	simm.s32 $0x9;
	_ =	strace $0x80000048  }
0xb8: {  	_ =	swait.ge [sflag:s29], $0x1  }
0xb9: {  	[sflag:s29] =	ssyncadd.s32 $0xFFFFFFFF  }
0xba: {  	_ =	strace $0x90000048  }
0xbb: {  	_ =	sfence  }
0xbc: {  	s30 =	sld [smem:$0x0];
	_ =	sdelay $0x2  }
0xbd: {  	s31 =	sshll.u32 s1, $0xD;
	s1 =	sshrl.u32 s1, $0x2  }
0xbe: {  	s3 =	sand.u32 $0x4000, s31;
	s1 =	sadd.s32 s1, s30  }
0xbf: {  	s0 =	sor.u32 s3, s0;
	s1 =	sshll.u32 s1, $0x11  }
0xc0: {  	s0 =	sor.u32 s1, s0  }
0xc1: {  	s0 =	sadd.s32 $0x8F2B, s0  }
0xc2: {  	[sflag:s0] =	ssyncadd.remote.s32 $0x1  }
0xc3: {  	_ =	sfence.sel $0xFFFF  }
0xc4: {  	[dreg:$0x0] =	wrdreg $0xFFFFFFFF;
	(pc) =	sbr.abs _section_cstart, $3  }
0xc5: {  	[dreg:$0x1] =	wrdreg $0xFFFFFFFF  }
0xc6: {  	_ =	task.clear_ibuf [dreg:s10], $0x2FFFF;
	_ =	strace $0x9FFFFFFF  }
0xc7: {  	(tm) =	ssettm $0x7FFFFFFF  }
tec
execute0_lowered:
.L_overlay_start_1:
0x0: {  	(tag) =	ssettag $0x1  }
0x1: {  	s0 =	rddreg [dreg:$0x0]  }
0x2: {  	s4 =	rddreg [dreg:$0x1]  }
0x3: {  	s5 =	rddreg [dreg:$0x2]  }
0x4: {  	s14 =	rddreg [dreg:$0x3]  }
0x5: {  	s2 =	simm.s32 $0x0;
	[dreg:$0x5] =	wrdreg s0  }
0x6: {  	s22 =	simm.s32 $0x18700;
	[smem:$0x7FF] =	sst s2  }
0x7: {  	s23 =	simm.s32 $0x100;
	_ =	strace $0x80000047;
	[dreg:$0x9] =	wrdreg s22  }
0x8: {  	s24 =	simm.s32 $0x1A700;
	[dreg:$0xa] =	wrdreg s23  }
0x9: {  	s25 =	simm.s32 $0x1B700;
	[dreg:$0xb] =	wrdreg s24  }
0xa: {  	s26 =	simm.s32 $0x1B900;
	[dreg:$0xc] =	wrdreg s25  }
0xb: {  	s9 =	simm.s32 $0x1C300;
	[dreg:$0xd] =	wrdreg s26  }
0xc: {  	s10 =	simm.s32 $0x1C500;
	[dreg:$0x12] =	wrdreg s9  }
0xd: {  	s11 =	simm.s32 $0x1C700;
	[dreg:$0x13] =	wrdreg s10  }
0xe: {  	s13 =	simm.s32 $0x1C900;
	[dreg:$0x14] =	wrdreg s11  }
0xf: {  	s15 =	simm.s32 $0x1CB00;
	[dreg:$0x15] =	wrdreg s13  }
0x10: {  	s16 =	simm.s32 $0x1CD00;
	[dreg:$0x16] =	wrdreg s15  }
0x11: {  	s17 =	simm.s32 $0x1CF00;
	[dreg:$0x17] =	wrdreg s16  }
0x12: {  	s18 =	simm.s32 $0x1D100;
	[dreg:$0x18] =	wrdreg s17  }
0x13: {  	[dreg:$0x19] =	wrdreg s18;
	s22 =	simm.s32 $0x1B780  }
0x14: {  	s23 =	simm.s32 $0x1B980;
	[dreg:$0x1c] =	wrdreg s22  }
0x15: {  	s24 =	simm.s32 $0x1BB80;
	[dreg:$0x1d] =	wrdreg s23  }
0x16: {  	s25 =	simm.s32 $0x1BD80;
	[dreg:$0x1e] =	wrdreg s24  }
0x17: {  	s19 =	srdreg.scid;
	s26 =	simm.s32 $0x1BF80;
	[dreg:$0x1f] =	wrdreg s25  }
0x18: {  	s3 =	stileid.u32;
	s9 =	simm.s32 $0x1C980;
	[smem:$0x735] =	sst s26  }
0x19: {  	s12 =	sand.u32 $0x1, s19;
	s10 =	simm.s32 $0x1CB80;
	[smem:$0x73F] =	sst s9  }
0x1a: {  	s1 =	sshll.u32 s3, $0x1;
	s11 =	simm.s32 $0x1CD80;
	[smem:$0x741] =	sst s10  }
0x1b: {  	s20 =	sshll.u32 s3, $0x8;
	s13 =	simm.s32 $0x1CF80;
	[smem:$0x743] =	sst s11  }
0x1c: {  	s0 =	sshll.u32 s12, $0x5;
	s15 =	simm.s32 $0x1D180;
	[smem:$0x745] =	sst s13  }
0x1d: {  	s16 =	simm.s32 $0x1D380;
	s17 =	simm.s32 $0x1D580;
	[smem:$0x747] =	sst s15  }
0x1e: {  	s18 =	simm.s32 $0x1B800;
	s0 =	sor.u32 s1, s0;
	[smem:$0x749] =	sst s16  }
0x1f: {  	s1 =	sand.u32 $0x300, s20;
	[smem:$0x74B] =	sst s17;
	s0 =	sshrl.u32 s0, $0x3  }
0x20: {  	s20 =	simm.s32 $0x1D300;
	[smem:$0x74F] =	sst s18;
	s6 =	smul.u32 $0xC3800, s0  }
0x21: {  	[dreg:$0x1a] =	wrdreg s20;
	s20 =	simm.s32 $0x1BA00  }
0x22: {  	s19 =	sor.u32 $0x80, s1;
	[smem:$0x750] =	sst s20;
	s21 =	sor.u32 s1, s6  }
0x23: {  	s6 =	sor.u32 s19, s6;
	s3 =	sshrl.u32 s21, $0x3;
	s21 =	simm.s32 $0x1D500  }
0x24: {  	s6 =	sshrl.u32 s6, $0x3;
	s8 =	sadd.s32 s4, s3;
	[dreg:$0x1b] =	wrdreg s21  }
0x25: {  	s0 =	sshll.u32 s0, $0xE;
	s4 =	sadd.s32 s4, s6;
	[dreg:$0x6] =	wrdreg s8  }
0x26: {  	s7 =	sor.u32 s1, s0;
	s6 =	simm.s32 $0x1BD00;
	[dreg:$0x8] =	wrdreg s4  }
0x27: {  	s3 =	sshrl.u32 s7, $0x3;
	s7 =	simm.s32 $0x1BF00;
	[dreg:$0xf] =	wrdreg s6  }
0x28: {  	s5 =	sadd.s32 s5, s3;
	[dreg:$0x10] =	wrdreg s7  }
0x29: {  	s8 =	simm.s32 $0x1C100;
	[dreg:$0x7] =	wrdreg s5  }
0x2a: {  	s6 =	simm.s32 $0x1C380;
	[dreg:$0x11] =	wrdreg s8  }
0x2b: {  	s7 =	simm.s32 $0x1C580;
	[smem:$0x739] =	sst s6  }
0x2c: {  	s5 =	simm.s32 $0x1BB00;
	[smem:$0x73B] =	sst s7  }
0x2d: {  	s8 =	simm.s32 $0x1C780;
	[dreg:$0xe] =	wrdreg s5  }
0x2e: {  	s5 =	simm.s32 $0x1C180;
	[smem:$0x73D] =	sst s8  }
0x2f: {  	s21 =	simm.s32 $0x1BC00;
	[smem:$0x737] =	sst s5  }
0x30: {  	s22 =	simm.s32 $0x1BE00;
	[smem:$0x751] =	sst s21  }
0x31: {  	s23 =	simm.s32 $0x1C000;
	[smem:$0x753] =	sst s22  }
0x32: {  	s24 =	simm.s32 $0x1C200;
	[smem:$0x755] =	sst s23  }
0x33: {  	s25 =	simm.s32 $0x1C400;
	[smem:$0x757] =	sst s24  }
0x34: {  	s26 =	simm.s32 $0x1C600;
	[smem:$0x759] =	sst s25  }
0x35: {  	s6 =	simm.s32 $0x1CA00;
	[smem:$0x75B] =	sst s26  }
0x36: {  	s7 =	simm.s32 $0x1CC00;
	[smem:$0x75F] =	sst s6  }
0x37: {  	s8 =	simm.s32 $0x1CE00;
	[smem:$0x761] =	sst s7  }
0x38: {  	s9 =	simm.s32 $0x1D000;
	[smem:$0x763] =	sst s8  }
0x39: {  	s10 =	simm.s32 $0x1D200;
	[smem:$0x765] =	sst s9  }
0x3a: {  	s11 =	simm.s32 $0x1D400;
	[smem:$0x767] =	sst s10  }
0x3b: {  	s13 =	simm.s32 $0x1D600;
	[smem:$0x769] =	sst s11  }
0x3c: {  	s15 =	simm.s32 $0x1B880;
	[smem:$0x76B] =	sst s13  }
0x3d: {  	s16 =	simm.s32 $0x1BA80;
	[smem:$0x76F] =	sst s15  }
0x3e: {  	s17 =	simm.s32 $0x1BC80;
	[smem:$0x770] =	sst s16  }
0x3f: {  	s18 =	simm.s32 $0x1BE80;
	[smem:$0x771] =	sst s17  }
0x40: {  	s20 =	simm.s32 $0x1C080;
	[smem:$0x773] =	sst s18  }
0x41: {  	s5 =	simm.s32 $0x1C800;
	[smem:$0x775] =	sst s20  }
0x42: {  	s21 =	simm.s32 $0x1C280;
	[smem:$0x75D] =	sst s5  }
0x43: {  	s22 =	simm.s32 $0x1C480;
	[smem:$0x777] =	sst s21  }
0x44: {  	s23 =	simm.s32 $0x1C680;
	[smem:$0x779] =	sst s22  }
0x45: {  	s24 =	simm.s32 $0x1C880;
	[smem:$0x77B] =	sst s23  }
0x46: {  	s25 =	simm.s32 $0x1CA80;
	[smem:$0x77D] =	sst s24  }
0x47: {  	s26 =	simm.s32 $0x1CC80;
	[smem:$0x77F] =	sst s25  }
0x48: {  	s6 =	simm.s32 $0x1D080;
	[smem:$0x781] =	sst s26  }
0x49: {  	s7 =	simm.s32 $0x1D280;
	[smem:$0x785] =	sst s6  }
0x4a: {  	s8 =	simm.s32 $0x1D480;
	[smem:$0x787] =	sst s7  }
0x4b: {  	s9 =	simm.s32 $0x1D680;
	[smem:$0x789] =	sst s8  }
0x4c: {  	s10 =	simm.s32 $0x1D700;
	[smem:$0x78B] =	sst s9  }
0x4d: {  	s11 =	simm.s32 $0x1D900;
	[smem:$0x78F] =	sst s10  }
0x4e: {  	s13 =	simm.s32 $0x1DB00;
	[smem:$0x790] =	sst s11  }
0x4f: {  	s15 =	simm.s32 $0x1DD00;
	[smem:$0x791] =	sst s13  }
0x50: {  	s16 =	simm.s32 $0x1DF00;
	[smem:$0x793] =	sst s15  }
0x51: {  	s17 =	simm.s32 $0x1E100;
	[smem:$0x795] =	sst s16  }
0x52: {  	s18 =	simm.s32 $0x1E300;
	[smem:$0x797] =	sst s17  }
0x53: {  	s20 =	simm.s32 $0x1E500;
	[smem:$0x799] =	sst s18  }
0x54: {  	s5 =	simm.s32 $0x1CE80;
	[smem:$0x79B] =	sst s20  }
0x55: {  	s21 =	simm.s32 $0x1E700;
	[smem:$0x783] =	sst s5  }
0x56: {  	s22 =	simm.s32 $0x1E900;
	[smem:$0x79D] =	sst s21  }
0x57: {  	s23 =	simm.s32 $0x1EB00;
	[smem:$0x79F] =	sst s22  }
0x58: {  	s24 =	simm.s32 $0x1ED00;
	[smem:$0x7A1] =	sst s23  }
0x59: {  	s25 =	simm.s32 $0x1EF00;
	[smem:$0x7A3] =	sst s24  }
0x5a: {  	s26 =	simm.s32 $0x1F100;
	[smem:$0x7A5] =	sst s25  }
0x5b: {  	s6 =	simm.s32 $0x1F500;
	[smem:$0x7A7] =	sst s26  }
0x5c: {  	s7 =	simm.s32 $0x1D780;
	[smem:$0x7AB] =	sst s6  }
0x5d: {  	s8 =	simm.s32 $0x1D980;
	[smem:$0x7AF] =	sst s7  }
0x5e: {  	s9 =	simm.s32 $0x1DB80;
	[smem:$0x7B0] =	sst s8  }
0x5f: {  	s10 =	simm.s32 $0x1DD80;
	[smem:$0x7B1] =	sst s9  }
0x60: {  	s11 =	simm.s32 $0x1DF80;
	[smem:$0x7B3] =	sst s10  }
0x61: {  	s13 =	simm.s32 $0x1E180;
	[smem:$0x7B5] =	sst s11  }
0x62: {  	s15 =	simm.s32 $0x1E380;
	[smem:$0x7B7] =	sst s13  }
0x63: {  	s16 =	simm.s32 $0x1E580;
	[smem:$0x7B9] =	sst s15  }
0x64: {  	s17 =	simm.s32 $0x1E780;
	[smem:$0x7BB] =	sst s16  }
0x65: {  	s18 =	simm.s32 $0x1E980;
	[smem:$0x7BD] =	sst s17  }
0x66: {  	s20 =	simm.s32 $0x1EB80;
	[smem:$0x7BF] =	sst s18  }
0x67: {  	s5 =	simm.s32 $0x1F300;
	[smem:$0x7C1] =	sst s20  }
0x68: {  	s21 =	simm.s32 $0x1ED80;
	[smem:$0x7A9] =	sst s5  }
0x69: {  	s22 =	simm.s32 $0x1EF80;
	[smem:$0x7C3] =	sst s21  }
0x6a: {  	s23 =	simm.s32 $0x1F180;
	[smem:$0x7C5] =	sst s22  }
0x6b: {  	s24 =	simm.s32 $0x1F380;
	[smem:$0x7C7] =	sst s23  }
0x6c: {  	s25 =	simm.s32 $0x1F580;
	[smem:$0x7C9] =	sst s24  }
0x6d: {  	s26 =	simm.s32 $0x1D800;
	[smem:$0x7CB] =	sst s25  }
0x6e: {  	s6 =	simm.s32 $0x1DC00;
	[smem:$0x7CF] =	sst s26  }
0x6f: {  	s7 =	simm.s32 $0x1DE00;
	[smem:$0x7D1] =	sst s6  }
0x70: {  	s8 =	simm.s32 $0x1E000;
	[smem:$0x7D3] =	sst s7  }
0x71: {  	s9 =	simm.s32 $0x1E200;
	[smem:$0x7D5] =	sst s8  }
0x72: {  	s10 =	simm.s32 $0x1E400;
	[smem:$0x7D7] =	sst s9  }
0x73: {  	s11 =	simm.s32 $0x1E600;
	[smem:$0x7D9] =	sst s10  }
0x74: {  	s13 =	simm.s32 $0x1E800;
	[smem:$0x7DB] =	sst s11  }
0x75: {  	s15 =	simm.s32 $0x1EA00;
	[smem:$0x7DD] =	sst s13  }
0x76: {  	s16 =	simm.s32 $0x1EC00;
	[smem:$0x7DF] =	sst s15  }
0x77: {  	s17 =	simm.s32 $0x1EE00;
	[smem:$0x7E1] =	sst s16  }
0x78: {  	s18 =	simm.s32 $0x1F000;
	[smem:$0x7E3] =	sst s17  }
0x79: {  	s20 =	simm.s32 $0x1F200;
	[smem:$0x7E5] =	sst s18  }
0x7a: {  	[smem:$0x7E7] =	sst s20  }
0x7b: {  	s18 =	rddreg [dreg:$0xa]  }
0x7c: {  	s5 =	simm.s32 $0x1DA00;
	s20 =	rddreg [dreg:$0x9]  }
0x7d: {  	s21 =	simm.s32 $0x1F400;
	[smem:$0x7D0] =	sst s5  }
0x7e: {  	s22 =	simm.s32 $0x1F600;
	[smem:$0x7E9] =	sst s21  }
0x7f: {  	s23 =	simm.s32 $0x1D880;
	[smem:$0x7EB] =	sst s22  }
0x80: {  	s24 =	simm.s32 $0x1DA80;
	[smem:$0x7EE] =	sst s23  }
0x81: {  	s25 =	simm.s32 $0x1DC80;
	[smem:$0x7EF] =	sst s24  }
0x82: {  	s26 =	simm.s32 $0x1DE80;
	[smem:$0x7F0] =	sst s25  }
0x83: {  	s6 =	simm.s32 $0x1E280;
	[smem:$0x7F1] =	sst s26  }
0x84: {  	s7 =	simm.s32 $0x1E480;
	[smem:$0x7F3] =	sst s6  }
0x85: {  	s8 =	simm.s32 $0x1E680;
	[smem:$0x7F4] =	sst s7  }
0x86: {  	s9 =	simm.s32 $0x1E880;
	[smem:$0x7F5] =	sst s8  }
0x87: {  	s10 =	simm.s32 $0x1EA80;
	[smem:$0x7F6] =	sst s9  }
0x88: {  	s11 =	simm.s32 $0x1EC80;
	[smem:$0x7F7] =	sst s10  }
0x89: {  	s13 =	simm.s32 $0x1EE80;
	[smem:$0x7F8] =	sst s11  }
0x8a: {  	s15 =	simm.s32 $0x1F080;
	[smem:$0x7F9] =	sst s13  }
0x8b: {  	s16 =	simm.s32 $0x1F280;
	[smem:$0x7FA] =	sst s15  }
0x8c: {  	s17 =	simm.s32 $0x1F480;
	[smem:$0x7FB] =	sst s16  }
0x8d: {  	[smem:$0x7FC] =	sst s17  }
0x8e: {  	s21 =	rddreg [dreg:$0x6]  }
0x8f: {  	s22 =	rddreg [dreg:$0x5]  }
0x90: {  	s5 =	simm.s32 $0x1E080;
	s9 =	rddreg [dreg:$0xb]  }
0x91: {  	s23 =	simm.s32 $0x80;
	s11 =	simm.s32 $0x400;
	s10 =	rddreg [dreg:$0x7]  }
0x92: {  	[tilespmem:s2], [sflag:$0x1] =	stream.strided.gather [hbm4b:s21+s23], $0x18700, s11, s23, $0x38;
	[tilespmem:$0x1F700] =	vst v63  }
0x93: {  	s24 =	simm.s32 $0x1F680;
	[smem:$0x7F2] =	sst s5  }
0x94: {  	[tilespmem:s20], [sflag:$0x2] =	stream.linear.gather [hbm4b:s22+s2], $0x2000, $0x38;
	[tilespmem:$0x1F700] =	vst v63  }
0x95: {  	s5 =	simm.s32 $0x2;
	[smem:$0x7FD] =	sst s24  }
0x96: {  	[tilespmem:s9], [sflag:$0x2] =	stream.strided.gather [hbm4b:s10+s18], $0x1000, s11, s18, $0x38;
	[tilespmem:$0x1F700] =	vst v63  }
0x97: {  	_ =	swait.ge [sflag:s5], $0x2000  }
0x98: {  	[sflag:s5] =	ssyncset.done $0x0  }
0x99: {  	[sflag:s5] =	ssyncadd.s32 $0xFFFFE000  }
0x9a: {  	_ =	swait.ge [sflag:s5], $0x1000  }
0x9b: {  	[sflag:s5] =	ssyncset.done $0x0  }
0x9c: {  	s6 =	simm.s32 $0x1;
	[sflag:s5] =	ssyncadd.s32 $0xFFFFF000  }
0x9d: {  	_ =	swait.ge [sflag:s6], $0x18700  }
0x9e: {  	[sflag:s6] =	ssyncset.done $0x0  }
0x9f: {  	s7 =	simm.s32 $0x4;
	[sflag:s6] =	ssyncadd.s32 $0xFFFE7900  }
0xa0: {  	[sflag:s7] =	ssyncadd.s32 $0x1  }
0xa1: {  	_ =	swait.ge [sflag:s7], $0x1  }
0xa2: {  	s25 =	rddreg [dreg:$0x8]  }
0xa3: {  	s4 =	sadd.s32 s14, s3;
	s26 =	rddreg [dreg:$0xc]  }
0xa4: {  	s10 =	sadd.s32 $0x80, s4;
	s8 =	rddreg [dreg:$0xd]  }
0xa5: {  	[smem:$0x723] =	sst s10  }
0xa6: {  	s13 =	sadd.s32 $0x100, s4;
	s15 =	rddreg [dreg:$0xf]  }
0xa7: {  	[smem:$0x724] =	sst s13  }
0xa8: {  	s16 =	sadd.s32 $0x180, s4;
	s17 =	rddreg [dreg:$0x10]  }
0xa9: {  	[smem:$0x725] =	sst s16  }
0xaa: {  	s18 =	sadd.s32 $0x200, s4;
	s20 =	rddreg [dreg:$0x11]  }
0xab: {  	[smem:$0x726] =	sst s18  }
0xac: {  	s21 =	sadd.s32 $0x280, s4;
	s22 =	rddreg [dreg:$0x12]  }
0xad: {  	[smem:$0x727] =	sst s21  }
0xae: {  	[sflag:s7] =	ssyncset.done $0x0;
	s24 =	rddreg [dreg:$0x13]  }
0xaf: {  	[smem:$0x731] =	sst s4;
	[sflag:s7] =	ssyncadd.s32 $0xFFFFFFFF  }
0xb0: {  	[tilespmem:s2], [sflag:$0x1] =	stream.strided.gather [hbm4b:s25+s23], $0x18700, s11, s23, $0x38;
	[tilespmem:$0x1F700] =	vst v63  }
0xb1: {  	s11 =	rddreg [dreg:$0xe];
	s23 =	sadd.s32 $0x300, s4  }
0xb2: {  	s25 =	sadd.s32 $0x380, s4;
	[smem:$0x728] =	sst s23  }
0xb3: {  	[hbm4b:s4+s2] =	stream.linear.scatter [tilespmem:s26], [sflag:$0x3], $0x80, $0x38;
	[tilespmem:$0x1F700] =	vst v63  }
0xb4: {  	[smem:$0x729] =	sst s25  }
0xb5: {  	[hbm4b:s10+s2] =	stream.linear.scatter [tilespmem:s8], [sflag:$0x3], $0x80, $0x38;
	[tilespmem:$0x1F700] =	vst v63  }
0xb6: {  	s26 =	rddreg [dreg:$0x14];
	s10 =	sadd.s32 $0x400, s4  }
0xb7: {  	[smem:$0x72A] =	sst s10  }
0xb8: {  	[hbm4b:s13+s2] =	stream.linear.scatter [tilespmem:s11], [sflag:$0x3], $0x80, $0x38;
	[tilespmem:$0x1F700] =	vst v63  }
0xb9: {  	s11 =	rddreg [dreg:$0x15];
	s13 =	sadd.s32 $0x480, s4  }
0xba: {  	[smem:$0x72B] =	sst s13  }
0xbb: {  	[hbm4b:s16+s2] =	stream.linear.scatter [tilespmem:s15], [sflag:$0x3], $0x80, $0x38;
	[tilespmem:$0x1F700] =	vst v63  }
0xbc: {  	s15 =	rddreg [dreg:$0x16];
	s16 =	sadd.s32 $0x500, s4  }
0xbd: {  	[smem:$0x72C] =	sst s16  }
0xbe: {  	[hbm4b:s18+s2] =	stream.linear.scatter [tilespmem:s17], [sflag:$0x3], $0x80, $0x38;
	[tilespmem:$0x1F700] =	vst v63  }
0xbf: {  	s17 =	rddreg [dreg:$0x17];
	s18 =	sadd.s32 $0x580, s4  }
0xc0: {  	[smem:$0x72D] =	sst s18  }
0xc1: {  	[hbm4b:s21+s2] =	stream.linear.scatter [tilespmem:s20], [sflag:$0x3], $0x80, $0x38;
	[tilespmem:$0x1F700] =	vst v63  }
0xc2: {  	s20 =	rddreg [dreg:$0x18];
	s21 =	sadd.s32 $0x600, s4  }
0xc3: {  	[smem:$0x72E] =	sst s21  }
0xc4: {  	[hbm4b:s23+s2] =	stream.linear.scatter [tilespmem:s22], [sflag:$0x3], $0x80, $0x38;
	[tilespmem:$0x1F700] =	vst v63  }
0xc5: {  	s22 =	rddreg [dreg:$0x19];
	s23 =	sadd.s32 $0x680, s4  }
0xc6: {  	[smem:$0x72F] =	sst s23  }
0xc7: {  	[hbm4b:s25+s2] =	stream.linear.scatter [tilespmem:s24], [sflag:$0x3], $0x80, $0x38;
	[tilespmem:$0x1F700] =	vst v63  }
0xc8: {  	s24 =	rddreg [dreg:$0x1a];
	s25 =	sadd.s32 $0x700, s4  }
0xc9: {  	s4 =	sadd.s32 $0x780, s4;
	[smem:$0x730] =	sst s25  }
0xca: {  	[smem:$0x732] =	sst s4  }
0xcb: {  	[hbm4b:s10+s2] =	stream.linear.scatter [tilespmem:s26], [sflag:$0x3], $0x80, $0x38;
	[tilespmem:$0x1F700] =	vst v63  }
0xcc: {  	s26 =	rddreg [dreg:$0x1b]  }
0xcd: {  	s10 =	rddreg [dreg:$0x1c]  }
0xce: {  	[hbm4b:s13+s2] =	stream.linear.scatter [tilespmem:s11], [sflag:$0x3], $0x80, $0x38;
	[tilespmem:$0x1F700] =	vst v63  }
0xcf: {  	s11 =	rddreg [dreg:$0x1d]  }
0xd0: {  	[hbm4b:s16+s2] =	stream.linear.scatter [tilespmem:s15], [sflag:$0x3], $0x80, $0x38;
	[tilespmem:$0x1F700] =	vst v63  }
0xd1: {  	s15 =	rddreg [dreg:$0x1e]  }
0xd2: {  	[hbm4b:s18+s2] =	stream.linear.scatter [tilespmem:s17], [sflag:$0x3], $0x80, $0x38;
	[tilespmem:$0x1F700] =	vst v63  }
0xd3: {  	s17 =	rddreg [dreg:$0x1f]  }
0xd4: {  	[hbm4b:s21+s2] =	stream.linear.scatter [tilespmem:s20], [sflag:$0x3], $0x80, $0x38;
	[tilespmem:$0x1F700] =	vst v63  }
0xd5: {  	s9 =	sor.u32 $0x20000, s0;
	s20 =	sld [smem:$0x735]  }
0xd6: {  	[hbm4b:s23+s2] =	stream.linear.scatter [tilespmem:s22], [sflag:$0x3], $0x80, $0x38;
	[tilespmem:$0x1F700] =	vst v63  }
0xd7: {  	s8 =	sor.u32 s1, s9;
	s22 =	sld [smem:$0x737]  }
0xd8: {  	[hbm4b:s25+s2] =	stream.linear.scatter [tilespmem:s24], [sflag:$0x3], $0x80, $0x38;
	[tilespmem:$0x1F700] =	vst v63  }
0xd9: {  	s3 =	sshrl.u32 s8, $0x3;
	s24 =	sld [smem:$0x739]  }
0xda: {  	[hbm4b:s4+s2] =	stream.linear.scatter [tilespmem:s26], [sflag:$0x3], $0x80, $0x38;
	[tilespmem:$0x1F700] =	vst v63  }
0xdb: {  	s4 =	sadd.s32 s14, s3;
	s26 =	sld [smem:$0x73B]  }
0xdc: {  	s13 =	sadd.s32 $0x80, s4;
	[smem:$0x74D] =	sst s4  }
0xdd: {  	[hbm4b:s4+s2] =	stream.linear.scatter [tilespmem:s10], [sflag:$0x3], $0x80, $0x38;
	[tilespmem:$0x1F700] =	vst v63  }
0xde: {  	s16 =	sadd.s32 $0x100, s4;
	[smem:$0x733] =	sst s13  }
0xdf: {  	s18 =	sadd.s32 $0x180, s4;
	[smem:$0x734] =	sst s16  }
0xe0: {  	s21 =	sadd.s32 $0x200, s4;
	[smem:$0x736] =	sst s18  }
0xe1: {  	s23 =	sadd.s32 $0x280, s4;
	[smem:$0x738] =	sst s21  }
0xe2: {  	s25 =	sadd.s32 $0x300, s4;
	[smem:$0x73A] =	sst s23  }
0xe3: {  	s8 =	sadd.s32 $0x380, s4;
	[smem:$0x73C] =	sst s25  }
0xe4: {  	[smem:$0x73E] =	sst s8  }
0xe5: {  	[hbm4b:s13+s2] =	stream.linear.scatter [tilespmem:s11], [sflag:$0x3], $0x80, $0x38;
	[tilespmem:$0x1F700] =	vst v63  }
0xe6: {  	s11 =	sld [smem:$0x73D];
	s13 =	sadd.s32 $0x400, s4  }
0xe7: {  	[smem:$0x740] =	sst s13  }
0xe8: {  	[hbm4b:s16+s2] =	stream.linear.scatter [tilespmem:s15], [sflag:$0x3], $0x80, $0x38;
	[tilespmem:$0x1F700] =	vst v63  }
0xe9: {  	s15 =	sld [smem:$0x73F];
	s16 =	sadd.s32 $0x480, s4  }
0xea: {  	[smem:$0x742] =	sst s16  }
0xeb: {  	[hbm4b:s18+s2] =	stream.linear.scatter [tilespmem:s17], [sflag:$0x3], $0x80, $0x38;
	[tilespmem:$0x1F700] =	vst v63  }
0xec: {  	s17 =	sld [smem:$0x741];
	s18 =	sadd.s32 $0x500, s4  }
0xed: {  	[smem:$0x744] =	sst s18  }
0xee: {  	[hbm4b:s21+s2] =	stream.linear.scatter [tilespmem:s20], [sflag:$0x3], $0x80, $0x38;
	[tilespmem:$0x1F700] =	vst v63  }
0xef: {  	s20 =	sld [smem:$0x743];
	s21 =	sadd.s32 $0x580, s4  }
0xf0: {  	[smem:$0x746] =	sst s21  }
0xf1: {  	[hbm4b:s23+s2] =	stream.linear.scatter [tilespmem:s22], [sflag:$0x3], $0x80, $0x38;
	[tilespmem:$0x1F700] =	vst v63  }
0xf2: {  	s22 =	sld [smem:$0x745];
	s23 =	sadd.s32 $0x600, s4  }
0xf3: {  	[smem:$0x748] =	sst s23  }
0xf4: {  	[hbm4b:s25+s2] =	stream.linear.scatter [tilespmem:s24], [sflag:$0x3], $0x80, $0x38;
	[tilespmem:$0x1F700] =	vst v63  }
0xf5: {  	s24 =	sld [smem:$0x747];
	s25 =	sadd.s32 $0x680, s4  }
0xf6: {  	[smem:$0x74A] =	sst s25  }
0xf7: {  	[hbm4b:s8+s2] =	stream.linear.scatter [tilespmem:s26], [sflag:$0x3], $0x80, $0x38;
	[tilespmem:$0x1F700] =	vst v63  }
0xf8: {  	s26 =	sld [smem:$0x749]  }
0xf9: {  	[hbm4b:s13+s2] =	stream.linear.scatter [tilespmem:s11], [sflag:$0x3], $0x80, $0x38;
	[tilespmem:$0x1F700] =	vst v63  }
0xfa: {  	s11 =	sadd.s32 $0x700, s4;
	s13 =	sld [smem:$0x74B]  }
0xfb: {  	s4 =	sadd.s32 $0x780, s4;
	[smem:$0x74C] =	sst s11  }
0xfc: {  	s8 =	sor.u32 $0x40000, s0;
	[smem:$0x74E] =	sst s4  }
0xfd: {  	[hbm4b:s16+s2] =	stream.linear.scatter [tilespmem:s15], [sflag:$0x3], $0x80, $0x38;
	[tilespmem:$0x1F700] =	vst v63  }
0xfe: {  	s15 =	sor.u32 s1, s8;
	s16 =	sld [smem:$0x74F]  }
0xff: {  	[hbm4b:s18+s2] =	stream.linear.scatter [tilespmem:s17], [sflag:$0x3], $0x80, $0x38;
	[tilespmem:$0x1F700] =	vst v63  }
0x100: {  	s3 =	sshrl.u32 s15, $0x3;
	s15 =	sld [smem:$0x759]  }
0x101: {  	[hbm4b:s21+s2] =	stream.linear.scatter [tilespmem:s20], [sflag:$0x3], $0x80, $0x38;
	[tilespmem:$0x1F700] =	vst v63  }
0x102: {  	s17 =	sld [smem:$0x750]  }
0x103: {  	[hbm4b:s23+s2] =	stream.linear.scatter [tilespmem:s22], [sflag:$0x3], $0x80, $0x38;
	[tilespmem:$0x1F700] =	vst v63  }
0x104: {  	s20 =	sld [smem:$0x751]  }
0x105: {  	[hbm4b:s25+s2] =	stream.linear.scatter [tilespmem:s24], [sflag:$0x3], $0x80, $0x38;
	[tilespmem:$0x1F700] =	vst v63  }
0x106: {  	s22 =	sld [smem:$0x753]  }
0x107: {  	[hbm4b:s11+s2] =	stream.linear.scatter [tilespmem:s26], [sflag:$0x3], $0x80, $0x38;
	[tilespmem:$0x1F700] =	vst v63  }
0x108: {  	s24 =	sld [smem:$0x755]  }
0x109: {  	[hbm4b:s4+s2] =	stream.linear.scatter [tilespmem:s13], [sflag:$0x3], $0x80, $0x38;
	[tilespmem:$0x1F700] =	vst v63  }
0x10a: {  	s26 =	sld [smem:$0x757];
	s4 =	sadd.s32 s14, s3  }
0x10b: {  	s18 =	sadd.s32 $0x80, s4;
	[smem:$0x76D] =	sst s4  }
0x10c: {  	[hbm4b:s4+s2] =	stream.linear.scatter [tilespmem:s16], [sflag:$0x3], $0x80, $0x38;
	[tilespmem:$0x1F700] =	vst v63  }
0x10d: {  	s21 =	sadd.s32 $0x100, s4;
	[smem:$0x752] =	sst s18  }
0x10e: {  	s23 =	sadd.s32 $0x180, s4;
	[smem:$0x754] =	sst s21  }
0x10f: {  	s25 =	sadd.s32 $0x200, s4;
	[smem:$0x756] =	sst s23  }
0x110: {  	s13 =	sadd.s32 $0x280, s4;
	[smem:$0x758] =	sst s25  }
0x111: {  	[smem:$0x75A] =	sst s13;
	s16 =	sadd.s32 $0x300, s4  }
0x112: {  	[smem:$0x75C] =	sst s16  }
0x113: {  	[hbm4b:s18+s2] =	stream.linear.scatter [tilespmem:s17], [sflag:$0x3], $0x80, $0x38;
	[tilespmem:$0x1F700] =	vst v63  }
0x114: {  	s17 =	sld [smem:$0x75B];
	s18 =	sadd.s32 $0x380, s4  }
0x115: {  	[smem:$0x75E] =	sst s18  }
0x116: {  	[hbm4b:s21+s2] =	stream.linear.scatter [tilespmem:s20], [sflag:$0x3], $0x80, $0x38;
	[tilespmem:$0x1F700] =	vst v63  }
0x117: {  	s20 =	sld [smem:$0x75D];
	s21 =	sadd.s32 $0x400, s4  }
0x118: {  	[smem:$0x760] =	sst s21  }
0x119: {  	[hbm4b:s23+s2] =	stream.linear.scatter [tilespmem:s22], [sflag:$0x3], $0x80, $0x38;
	[tilespmem:$0x1F700] =	vst v63  }
0x11a: {  	s22 =	sld [smem:$0x75F];
	s23 =	sadd.s32 $0x480, s4  }
0x11b: {  	[smem:$0x762] =	sst s23  }
0x11c: {  	[hbm4b:s25+s2] =	stream.linear.scatter [tilespmem:s24], [sflag:$0x3], $0x80, $0x38;
	[tilespmem:$0x1F700] =	vst v63  }
0x11d: {  	s24 =	sld [smem:$0x761];
	s25 =	sadd.s32 $0x500, s4  }
0x11e: {  	[smem:$0x764] =	sst s25  }
0x11f: {  	[hbm4b:s13+s2] =	stream.linear.scatter [tilespmem:s26], [sflag:$0x3], $0x80, $0x38;
	[tilespmem:$0x1F700] =	vst v63  }
0x120: {  	s26 =	sld [smem:$0x763];
	s13 =	sadd.s32 $0x580, s4  }
0x121: {  	[smem:$0x766] =	sst s13  }
0x122: {  	[hbm4b:s16+s2] =	stream.linear.scatter [tilespmem:s15], [sflag:$0x3], $0x80, $0x38;
	[tilespmem:$0x1F700] =	vst v63  }
0x123: {  	s15 =	sld [smem:$0x765];
	s16 =	sadd.s32 $0x600, s4  }
0x124: {  	[smem:$0x768] =	sst s16  }
0x125: {  	[hbm4b:s18+s2] =	stream.linear.scatter [tilespmem:s17], [sflag:$0x3], $0x80, $0x38;
	[tilespmem:$0x1F700] =	vst v63  }
0x126: {  	s17 =	sld [smem:$0x767];
	s18 =	sadd.s32 $0x680, s4  }
0x127: {  	[smem:$0x76A] =	sst s18  }
0x128: {  	[hbm4b:s21+s2] =	stream.linear.scatter [tilespmem:s20], [sflag:$0x3], $0x80, $0x38;
	[tilespmem:$0x1F700] =	vst v63  }
0x129: {  	s20 =	sld [smem:$0x769];
	s21 =	sadd.s32 $0x700, s4  }
0x12a: {  	s4 =	sadd.s32 $0x780, s4;
	[smem:$0x76C] =	sst s21  }
0x12b: {  	[smem:$0x76E] =	sst s4  }
0x12c: {  	[hbm4b:s23+s2] =	stream.linear.scatter [tilespmem:s22], [sflag:$0x3], $0x80, $0x38;
	[tilespmem:$0x1F700] =	vst v63  }
0x12d: {  	s22 =	sld [smem:$0x76B]  }
0x12e: {  	s23 =	sld [smem:$0x76F]  }
0x12f: {  	[hbm4b:s25+s2] =	stream.linear.scatter [tilespmem:s24], [sflag:$0x3], $0x80, $0x38;
	[tilespmem:$0x1F700] =	vst v63  }
0x130: {  	s24 =	sld [smem:$0x770]  }
0x131: {  	[hbm4b:s13+s2] =	stream.linear.scatter [tilespmem:s26], [sflag:$0x3], $0x80, $0x38;
	[tilespmem:$0x1F700] =	vst v63  }
0x132: {  	s26 =	sld [smem:$0x771]  }
0x133: {  	[hbm4b:s16+s2] =	stream.linear.scatter [tilespmem:s15], [sflag:$0x3], $0x80, $0x38;
	[tilespmem:$0x1F700] =	vst v63  }
0x134: {  	s3 =	sor.u32 $0x60000, s0;
	s15 =	sld [smem:$0x773]  }
0x135: {  	[hbm4b:s18+s2] =	stream.linear.scatter [tilespmem:s17], [sflag:$0x3], $0x80, $0x38;
	[tilespmem:$0x1F700] =	vst v63  }
0x136: {  	s1 =	sor.u32 s1, s3;
	s17 =	sld [smem:$0x775]  }
0x137: {  	[hbm4b:s21+s2] =	stream.linear.scatter [tilespmem:s20], [sflag:$0x3], $0x80, $0x38;
	[tilespmem:$0x1F700] =	vst v63  }
0x138: {  	s1 =	sshrl.u32 s1, $0x3;
	s20 =	sld [smem:$0x777]  }
0x139: {  	[hbm4b:s4+s2] =	stream.linear.scatter [tilespmem:s22], [sflag:$0x3], $0x80, $0x38;
	[tilespmem:$0x1F700] =	vst v63  }
0x13a: {  	s4 =	sadd.s32 s14, s1;
	s22 =	sld [smem:$0x779]  }
0x13b: {  	s25 =	sadd.s32 $0x80, s4;
	[smem:$0x78D] =	sst s4  }
0x13c: {  	[hbm4b:s4+s2] =	stream.linear.scatter [tilespmem:s23], [sflag:$0x3], $0x80, $0x38;
	[tilespmem:$0x1F700] =	vst v63  }
0x13d: {  	s13 =	sadd.s32 $0x100, s4;
	[smem:$0x772] =	sst s25  }
0x13e: {  	s16 =	sadd.s32 $0x180, s4;
	[smem:$0x774] =	sst s13  }
0x13f: {  	s18 =	sadd.s32 $0x200, s4;
	[smem:$0x776] =	sst s16  }
0x140: {  	s21 =	sadd.s32 $0x280, s4;
	[smem:$0x778] =	sst s18  }
0x141: {  	[smem:$0x77A] =	sst s21;
	s23 =	sadd.s32 $0x300, s4  }
0x142: {  	[smem:$0x77C] =	sst s23  }
0x143: {  	[hbm4b:s25+s2] =	stream.linear.scatter [tilespmem:s24], [sflag:$0x3], $0x80, $0x38;
	[tilespmem:$0x1F700] =	vst v63  }
0x144: {  	s24 =	sld [smem:$0x77B];
	s25 =	sadd.s32 $0x380, s4  }
0x145: {  	[smem:$0x77E] =	sst s25  }
0x146: {  	[hbm4b:s13+s2] =	stream.linear.scatter [tilespmem:s26], [sflag:$0x3], $0x80, $0x38;
	[tilespmem:$0x1F700] =	vst v63  }
0x147: {  	s26 =	sld [smem:$0x77D];
	s13 =	sadd.s32 $0x400, s4  }
0x148: {  	[smem:$0x780] =	sst s13  }
0x149: {  	[hbm4b:s16+s2] =	stream.linear.scatter [tilespmem:s15], [sflag:$0x3], $0x80, $0x38;
	[tilespmem:$0x1F700] =	vst v63  }
0x14a: {  	s15 =	sld [smem:$0x77F];
	s16 =	sadd.s32 $0x480, s4  }
0x14b: {  	[smem:$0x782] =	sst s16  }
0x14c: {  	[hbm4b:s18+s2] =	stream.linear.scatter [tilespmem:s17], [sflag:$0x3], $0x80, $0x38;
	[tilespmem:$0x1F700] =	vst v63  }
0x14d: {  	s17 =	sld [smem:$0x781];
	s18 =	sadd.s32 $0x500, s4  }
0x14e: {  	[smem:$0x784] =	sst s18  }
0x14f: {  	[hbm4b:s21+s2] =	stream.linear.scatter [tilespmem:s20], [sflag:$0x3], $0x80, $0x38;
	[tilespmem:$0x1F700] =	vst v63  }
0x150: {  	s20 =	sld [smem:$0x783];
	s21 =	sadd.s32 $0x580, s4  }
0x151: {  	[hbm4b:s23+s2] =	stream.linear.scatter [tilespmem:s22], [sflag:$0x3], $0x80, $0x38;
	[tilespmem:$0x1F700] =	vst v63  }
0x152: {  	[smem:$0x786] =	sst s21  }
0x153: {  	[hbm4b:s25+s2] =	stream.linear.scatter [tilespmem:s24], [sflag:$0x3], $0x80, $0x38;
	[tilespmem:$0x1F700] =	vst v63  }
0x154: {  	s22 =	sld [smem:$0x785];
	s23 =	sadd.s32 $0x600, s4  }
0x155: {  	[hbm4b:s13+s2] =	stream.linear.scatter [tilespmem:s26], [sflag:$0x3], $0x80, $0x38;
	[tilespmem:$0x1F700] =	vst v63  }
0x156: {  	[smem:$0x788] =	sst s23  }
0x157: {  	[hbm4b:s16+s2] =	stream.linear.scatter [tilespmem:s15], [sflag:$0x3], $0x80, $0x38;
	[tilespmem:$0x1F700] =	vst v63  }
0x158: {  	s24 =	sld [smem:$0x787];
	s25 =	sadd.s32 $0x680, s4  }
0x159: {  	[hbm4b:s18+s2] =	stream.linear.scatter [tilespmem:s17], [sflag:$0x3], $0x80, $0x38;
	[tilespmem:$0x1F700] =	vst v63  }
0x15a: {  	[smem:$0x78A] =	sst s25  }
0x15b: {  	[hbm4b:s21+s2] =	stream.linear.scatter [tilespmem:s20], [sflag:$0x3], $0x80, $0x38;
	[tilespmem:$0x1F700] =	vst v63  }
0x15c: {  	s26 =	sld [smem:$0x789];
	s13 =	sadd.s32 $0x700, s4  }
0x15d: {  	[hbm4b:s23+s2] =	stream.linear.scatter [tilespmem:s22], [sflag:$0x3], $0x80, $0x38;
	[tilespmem:$0x1F700] =	vst v63  }
0x15e: {  	[smem:$0x78C] =	sst s13  }
0x15f: {  	[hbm4b:s25+s2] =	stream.linear.scatter [tilespmem:s24], [sflag:$0x3], $0x80, $0x38;
	[tilespmem:$0x1F700] =	vst v63  }
0x160: {  	s4 =	sadd.s32 $0x780, s4;
	s15 =	sld [smem:$0x78B]  }
0x161: {  	[hbm4b:s13+s2] =	stream.linear.scatter [tilespmem:s26], [sflag:$0x3], $0x80, $0x38;
	[tilespmem:$0x1F700] =	vst v63  }
0x162: {  	[smem:$0x78E] =	sst s4  }
0x163: {  	[hbm4b:s4+s2] =	stream.linear.scatter [tilespmem:s15], [sflag:$0x3], $0x80, $0x38;
	[tilespmem:$0x1F700] =	vst v63  }
0x164: {  	_ =	swait.ge [sflag:s6], $0x18700  }
0x165: {  	[sflag:s6] =	ssyncset.done $0x0  }
0x166: {  	[sflag:s6] =	ssyncadd.s32 $0xFFFE7900  }
0x167: {  	[sflag:s7] =	ssyncadd.s32 $0x1  }
0x168: {  	s0 =	sor.u32 s19, s0;
	_ =	swait.ge [sflag:s7], $0x1  }
0x169: {  	s0 =	sshrl.u32 s0, $0x3;
	s16 =	sld [smem:$0x78F]  }
0x16a: {  	s4 =	sadd.s32 s14, s0;
	s17 =	sld [smem:$0x790]  }
0x16b: {  	s18 =	sadd.s32 $0x80, s4;
	s20 =	sld [smem:$0x791]  }
0x16c: {  	[smem:$0x792] =	sst s18  }
0x16d: {  	s21 =	sadd.s32 $0x100, s4;
	s22 =	sld [smem:$0x793]  }
0x16e: {  	[smem:$0x794] =	sst s21  }
0x16f: {  	s23 =	sadd.s32 $0x180, s4;
	s24 =	sld [smem:$0x795]  }
0x170: {  	[smem:$0x796] =	sst s23  }
0x171: {  	s25 =	sadd.s32 $0x200, s4;
	s26 =	sld [smem:$0x797]  }
0x172: {  	[smem:$0x798] =	sst s25  }
0x173: {  	s1 =	sadd.s32 $0x280, s4;
	s11 =	sld [smem:$0x799]  }
0x174: {  	[smem:$0x79A] =	sst s1  }
0x175: {  	s13 =	sadd.s32 $0x300, s4;
	s15 =	sld [smem:$0x79B]  }
0x176: {  	s0 =	sadd.s32 $0x600, s4;
	[sflag:s7] =	ssyncset.done $0x0;
	[smem:$0x79C] =	sst s13  }
0x177: {  	[smem:$0x7A8] =	sst s0;
	[sflag:s7] =	ssyncadd.s32 $0xFFFFFFFF  }
0x178: {  	[hbm4b:s4+s2] =	stream.linear.scatter [tilespmem:s16], [sflag:$0x5], $0x80, $0x38;
	[tilespmem:$0x1F700] =	vst v63  }
0x179: {  	[smem:$0x7AD] =	sst s4;
	s16 =	sadd.s32 $0x380, s4  }
0x17a: {  	[smem:$0x79E] =	sst s16  }
0x17b: {  	[hbm4b:s18+s2] =	stream.linear.scatter [tilespmem:s17], [sflag:$0x5], $0x80, $0x38;
	[tilespmem:$0x1F700] =	vst v63  }
0x17c: {  	s17 =	sld [smem:$0x79D];
	s18 =	sadd.s32 $0x400, s4  }
0x17d: {  	[smem:$0x7A0] =	sst s18  }
0x17e: {  	[hbm4b:s21+s2] =	stream.linear.scatter [tilespmem:s20], [sflag:$0x5], $0x80, $0x38;
	[tilespmem:$0x1F700] =	vst v63  }
0x17f: {  	s20 =	sld [smem:$0x79F];
	s21 =	sadd.s32 $0x480, s4  }
0x180: {  	[hbm4b:s23+s2] =	stream.linear.scatter [tilespmem:s22], [sflag:$0x5], $0x80, $0x38;
	[tilespmem:$0x1F700] =	vst v63  }
0x181: {  	[smem:$0x7A2] =	sst s21  }
0x182: {  	[hbm4b:s25+s2] =	stream.linear.scatter [tilespmem:s24], [sflag:$0x5], $0x80, $0x38;
	[tilespmem:$0x1F700] =	vst v63  }
0x183: {  	s22 =	sld [smem:$0x7A1];
	s23 =	sadd.s32 $0x500, s4  }
0x184: {  	[hbm4b:s1+s2] =	stream.linear.scatter [tilespmem:s26], [sflag:$0x5], $0x80, $0x38;
	[tilespmem:$0x1F700] =	vst v63  }
0x185: {  	[smem:$0x7A4] =	sst s23  }
0x186: {  	[hbm4b:s13+s2] =	stream.linear.scatter [tilespmem:s11], [sflag:$0x5], $0x80, $0x38;
	[tilespmem:$0x1F700] =	vst v63  }
0x187: {  	s24 =	sld [smem:$0x7A3];
	s25 =	sadd.s32 $0x580, s4  }
0x188: {  	[hbm4b:s16+s2] =	stream.linear.scatter [tilespmem:s15], [sflag:$0x5], $0x80, $0x38;
	[tilespmem:$0x1F700] =	vst v63  }
0x189: {  	[smem:$0x7A6] =	sst s25  }
0x18a: {  	[hbm4b:s18+s2] =	stream.linear.scatter [tilespmem:s17], [sflag:$0x5], $0x80, $0x38;
	[tilespmem:$0x1F700] =	vst v63  }
0x18b: {  	s26 =	sld [smem:$0x7A5]  }
0x18c: {  	[hbm4b:s21+s2] =	stream.linear.scatter [tilespmem:s20], [sflag:$0x5], $0x80, $0x38;
	[tilespmem:$0x1F700] =	vst v63  }
0x18d: {  	s11 =	sld [smem:$0x7A7];
	s13 =	sadd.s32 $0x680, s4  }
0x18e: {  	[hbm4b:s23+s2] =	stream.linear.scatter [tilespmem:s22], [sflag:$0x5], $0x80, $0x38;
	[tilespmem:$0x1F700] =	vst v63  }
0x18f: {  	[smem:$0x7AA] =	sst s13  }
0x190: {  	[hbm4b:s25+s2] =	stream.linear.scatter [tilespmem:s24], [sflag:$0x5], $0x80, $0x38;
	[tilespmem:$0x1F700] =	vst v63  }
0x191: {  	s15 =	sld [smem:$0x7A9];
	s16 =	sadd.s32 $0x700, s4  }
0x192: {  	[hbm4b:s0+s2] =	stream.linear.scatter [tilespmem:s26], [sflag:$0x5], $0x80, $0x38;
	[tilespmem:$0x1F700] =	vst v63  }
0x193: {  	[smem:$0x7AC] =	sst s16  }
0x194: {  	[hbm4b:s13+s2] =	stream.linear.scatter [tilespmem:s11], [sflag:$0x5], $0x80, $0x38;
	[tilespmem:$0x1F700] =	vst v63  }
0x195: {  	s17 =	sld [smem:$0x7AB];
	s18 =	sadd.s32 $0x780, s4  }
0x196: {  	[hbm4b:s16+s2] =	stream.linear.scatter [tilespmem:s15], [sflag:$0x5], $0x80, $0x38;
	[tilespmem:$0x1F700] =	vst v63  }
0x197: {  	[smem:$0x7AE] =	sst s18;
	s11 =	simm.s32 $0x5  }
0x198: {  	[hbm4b:s18+s2] =	stream.linear.scatter [tilespmem:s17], [sflag:$0x5], $0x80, $0x38;
	[tilespmem:$0x1F700] =	vst v63  }
0x199: {  	s20 =	sor.u32 s19, s9;
	_ =	swait.ge [sflag:s11], $0x800  }
0x19a: {  	s0 =	sshrl.u32 s20, $0x3;
	s21 =	sld [smem:$0x7AF]  }
0x19b: {  	s4 =	sadd.s32 s14, s0;
	s22 =	sld [smem:$0x7B0]  }
0x19c: {  	s23 =	sadd.s32 $0x80, s4;
	s24 =	sld [smem:$0x7B1]  }
0x19d: {  	[smem:$0x7B2] =	sst s23  }
0x19e: {  	s25 =	sadd.s32 $0x100, s4;
	s26 =	sld [smem:$0x7B3]  }
0x19f: {  	[smem:$0x7B4] =	sst s25  }
0x1a0: {  	s1 =	sadd.s32 $0x180, s4;
	s10 =	sld [smem:$0x7B5]  }
0x1a1: {  	[smem:$0x7B6] =	sst s1  }
0x1a2: {  	s13 =	sadd.s32 $0x200, s4;
	s15 =	sld [smem:$0x7B7]  }
0x1a3: {  	[smem:$0x7B8] =	sst s13  }
0x1a4: {  	s16 =	sadd.s32 $0x280, s4;
	s17 =	sld [smem:$0x7B9]  }
0x1a5: {  	[smem:$0x7BA] =	sst s16  }
0x1a6: {  	s18 =	sadd.s32 $0x300, s4;
	[sflag:s11] =	ssyncset.done $0x0;
	s20 =	sld [smem:$0x7BB]  }
0x1a7: {  	[smem:$0x7BC] =	sst s18;
	[sflag:s11] =	ssyncadd.s32 $0xFFFFF800  }
0x1a8: {  	[hbm4b:s4+s2] =	stream.linear.scatter [tilespmem:s21], [sflag:$0x5], $0x80, $0x38;
	[tilespmem:$0x1F700] =	vst v63  }
0x1a9: {  	[smem:$0x7CD] =	sst s4;
	s21 =	sadd.s32 $0x380, s4  }
0x1aa: {  	[smem:$0x7BE] =	sst s21  }
0x1ab: {  	[hbm4b:s23+s2] =	stream.linear.scatter [tilespmem:s22], [sflag:$0x5], $0x80, $0x38;
	[tilespmem:$0x1F700] =	vst v63  }
0x1ac: {  	s22 =	sld [smem:$0x7BD];
	s23 =	sadd.s32 $0x400, s4  }
0x1ad: {  	[smem:$0x7C0] =	sst s23  }
0x1ae: {  	[hbm4b:s25+s2] =	stream.linear.scatter [tilespmem:s24], [sflag:$0x5], $0x80, $0x38;
	[tilespmem:$0x1F700] =	vst v63  }
0x1af: {  	s24 =	sld [smem:$0x7BF];
	s25 =	sadd.s32 $0x480, s4  }
0x1b0: {  	[smem:$0x7C2] =	sst s25  }
0x1b1: {  	[hbm4b:s1+s2] =	stream.linear.scatter [tilespmem:s26], [sflag:$0x5], $0x80, $0x38;
	[tilespmem:$0x1F700] =	vst v63  }
0x1b2: {  	s26 =	sld [smem:$0x7C1]  }
0x1b3: {  	[hbm4b:s13+s2] =	stream.linear.scatter [tilespmem:s10], [sflag:$0x5], $0x80, $0x38;
	[tilespmem:$0x1F700] =	vst v63  }
0x1b4: {  	s10 =	sadd.s32 $0x500, s4;
	s13 =	sld [smem:$0x7C3]  }
0x1b5: {  	[hbm4b:s16+s2] =	stream.linear.scatter [tilespmem:s15], [sflag:$0x5], $0x80, $0x38;
	[tilespmem:$0x1F700] =	vst v63  }
0x1b6: {  	[smem:$0x7C4] =	sst s10  }
0x1b7: {  	[hbm4b:s18+s2] =	stream.linear.scatter [tilespmem:s17], [sflag:$0x5], $0x80, $0x38;
	[tilespmem:$0x1F700] =	vst v63  }
0x1b8: {  	s15 =	sadd.s32 $0x580, s4;
	s16 =	sld [smem:$0x7C5]  }
0x1b9: {  	[hbm4b:s21+s2] =	stream.linear.scatter [tilespmem:s20], [sflag:$0x5], $0x80, $0x38;
	[tilespmem:$0x1F700] =	vst v63  }
0x1ba: {  	[smem:$0x7C6] =	sst s15  }
0x1bb: {  	[hbm4b:s23+s2] =	stream.linear.scatter [tilespmem:s22], [sflag:$0x5], $0x80, $0x38;
	[tilespmem:$0x1F700] =	vst v63  }
0x1bc: {  	s17 =	sadd.s32 $0x600, s4;
	s18 =	sld [smem:$0x7C7]  }
0x1bd: {  	[hbm4b:s25+s2] =	stream.linear.scatter [tilespmem:s24], [sflag:$0x5], $0x80, $0x38;
	[tilespmem:$0x1F700] =	vst v63  }
0x1be: {  	[smem:$0x7C8] =	sst s17  }
0x1bf: {  	[hbm4b:s10+s2] =	stream.linear.scatter [tilespmem:s26], [sflag:$0x5], $0x80, $0x38;
	[tilespmem:$0x1F700] =	vst v63  }
0x1c0: {  	s20 =	sadd.s32 $0x680, s4;
	s21 =	sld [smem:$0x7C9]  }
0x1c1: {  	[hbm4b:s15+s2] =	stream.linear.scatter [tilespmem:s13], [sflag:$0x5], $0x80, $0x38;
	[tilespmem:$0x1F700] =	vst v63  }
0x1c2: {  	[smem:$0x7CA] =	sst s20  }
0x1c3: {  	[hbm4b:s17+s2] =	stream.linear.scatter [tilespmem:s16], [sflag:$0x5], $0x80, $0x38;
	[tilespmem:$0x1F700] =	vst v63  }
0x1c4: {  	s22 =	sadd.s32 $0x700, s4;
	s23 =	sld [smem:$0x7CB]  }
0x1c5: {  	[hbm4b:s20+s2] =	stream.linear.scatter [tilespmem:s18], [sflag:$0x5], $0x80, $0x38;
	[tilespmem:$0x1F700] =	vst v63  }
0x1c6: {  	[smem:$0x7CC] =	sst s22;
	s24 =	sadd.s32 $0x780, s4  }
0x1c7: {  	[hbm4b:s22+s2] =	stream.linear.scatter [tilespmem:s21], [sflag:$0x5], $0x80, $0x38;
	[tilespmem:$0x1F700] =	vst v63  }
0x1c8: {  	[smem:$0x7CE] =	sst s24  }
0x1c9: {  	[hbm4b:s24+s2] =	stream.linear.scatter [tilespmem:s23], [sflag:$0x5], $0x80, $0x38;
	[tilespmem:$0x1F700] =	vst v63  }
0x1ca: {  	s25 =	sor.u32 s19, s8;
	_ =	swait.ge [sflag:s11], $0x800  }
0x1cb: {  	s0 =	sshrl.u32 s25, $0x3;
	s26 =	sld [smem:$0x7CF]  }
0x1cc: {  	s4 =	sadd.s32 s14, s0;
	s8 =	sld [smem:$0x7D0]  }
0x1cd: {  	s9 =	sadd.s32 $0x80, s4;
	s10 =	sld [smem:$0x7D1]  }
0x1ce: {  	[smem:$0x7D2] =	sst s9  }
0x1cf: {  	s13 =	sadd.s32 $0x100, s4;
	s15 =	sld [smem:$0x7D3]  }
0x1d0: {  	[smem:$0x7D4] =	sst s13  }
0x1d1: {  	s16 =	sadd.s32 $0x180, s4;
	s17 =	sld [smem:$0x7D5]  }
0x1d2: {  	[smem:$0x7D6] =	sst s16  }
0x1d3: {  	s18 =	sadd.s32 $0x200, s4;
	s20 =	sld [smem:$0x7D7]  }
0x1d4: {  	[smem:$0x7D8] =	sst s18  }
0x1d5: {  	s21 =	sadd.s32 $0x280, s4;
	s22 =	sld [smem:$0x7D9]  }
0x1d6: {  	[smem:$0x7DA] =	sst s21  }
0x1d7: {  	s23 =	sadd.s32 $0x300, s4;
	s24 =	sld [smem:$0x7DB]  }
0x1d8: {  	s25 =	sadd.s32 $0x380, s4;
	[smem:$0x7DC] =	sst s23  }
0x1d9: {  	s0 =	sadd.s32 $0x400, s4;
	[sflag:s11] =	ssyncset.done $0x0;
	[smem:$0x7DE] =	sst s25  }
0x1da: {  	[smem:$0x7E0] =	sst s0;
	[sflag:s11] =	ssyncadd.s32 $0xFFFFF800  }
0x1db: {  	[hbm4b:s4+s2] =	stream.linear.scatter [tilespmem:s26], [sflag:$0x5], $0x80, $0x38;
	[tilespmem:$0x1F700] =	vst v63  }
0x1dc: {  	[smem:$0x7ED] =	sst s4  }
0x1dd: {  	[hbm4b:s9+s2] =	stream.linear.scatter [tilespmem:s8], [sflag:$0x5], $0x80, $0x38;
	[tilespmem:$0x1F700] =	vst v63  }
0x1de: {  	s26 =	sld [smem:$0x7DD]  }
0x1df: {  	[hbm4b:s13+s2] =	stream.linear.scatter [tilespmem:s10], [sflag:$0x5], $0x80, $0x38;
	[tilespmem:$0x1F700] =	vst v63  }
0x1e0: {  	s9 =	sld [smem:$0x7DF]  }
0x1e1: {  	[hbm4b:s16+s2] =	stream.linear.scatter [tilespmem:s15], [sflag:$0x5], $0x80, $0x38;
	[tilespmem:$0x1F700] =	vst v63  }
0x1e2: {  	s10 =	sadd.s32 $0x480, s4;
	s13 =	sld [smem:$0x7E1]  }
0x1e3: {  	[hbm4b:s18+s2] =	stream.linear.scatter [tilespmem:s17], [sflag:$0x5], $0x80, $0x38;
	[tilespmem:$0x1F700] =	vst v63  }
0x1e4: {  	[smem:$0x7E2] =	sst s10  }
0x1e5: {  	[hbm4b:s21+s2] =	stream.linear.scatter [tilespmem:s20], [sflag:$0x5], $0x80, $0x38;
	[tilespmem:$0x1F700] =	vst v63  }
0x1e6: {  	s15 =	sadd.s32 $0x500, s4;
	s16 =	sld [smem:$0x7E3]  }
0x1e7: {  	[hbm4b:s23+s2] =	stream.linear.scatter [tilespmem:s22], [sflag:$0x5], $0x80, $0x38;
	[tilespmem:$0x1F700] =	vst v63  }
0x1e8: {  	[smem:$0x7E4] =	sst s15  }
0x1e9: {  	[hbm4b:s25+s2] =	stream.linear.scatter [tilespmem:s24], [sflag:$0x5], $0x80, $0x38;
	[tilespmem:$0x1F700] =	vst v63  }
0x1ea: {  	s17 =	sadd.s32 $0x580, s4;
	s18 =	sld [smem:$0x7E5]  }
0x1eb: {  	[hbm4b:s0+s2] =	stream.linear.scatter [tilespmem:s26], [sflag:$0x5], $0x80, $0x38;
	[tilespmem:$0x1F700] =	vst v63  }
0x1ec: {  	[smem:$0x7E6] =	sst s17  }
0x1ed: {  	[hbm4b:s10+s2] =	stream.linear.scatter [tilespmem:s9], [sflag:$0x5], $0x80, $0x38;
	[tilespmem:$0x1F700] =	vst v63  }
0x1ee: {  	s20 =	sadd.s32 $0x600, s4;
	s21 =	sld [smem:$0x7E7]  }
0x1ef: {  	[hbm4b:s15+s2] =	stream.linear.scatter [tilespmem:s13], [sflag:$0x5], $0x80, $0x38;
	[tilespmem:$0x1F700] =	vst v63  }
0x1f0: {  	[smem:$0x7E8] =	sst s20  }
0x1f1: {  	[hbm4b:s17+s2] =	stream.linear.scatter [tilespmem:s16], [sflag:$0x5], $0x80, $0x38;
	[tilespmem:$0x1F700] =	vst v63  }
0x1f2: {  	s22 =	sadd.s32 $0x680, s4;
	s23 =	sld [smem:$0x7E9]  }
0x1f3: {  	[hbm4b:s20+s2] =	stream.linear.scatter [tilespmem:s18], [sflag:$0x5], $0x80, $0x38;
	[tilespmem:$0x1F700] =	vst v63  }
0x1f4: {  	[smem:$0x7EA] =	sst s22  }
0x1f5: {  	[hbm4b:s22+s2] =	stream.linear.scatter [tilespmem:s21], [sflag:$0x5], $0x80, $0x38;
	[tilespmem:$0x1F700] =	vst v63  }
0x1f6: {  	s24 =	sadd.s32 $0x700, s4;
	s25 =	sld [smem:$0x7EB]  }
0x1f7: {  	[hbm4b:s24+s2] =	stream.linear.scatter [tilespmem:s23], [sflag:$0x5], $0x80, $0x38;
	[tilespmem:$0x1F700] =	vst v63  }
0x1f8: {  	[smem:$0x7EC] =	sst s24;
	s26 =	sadd.s32 $0x780, s4  }
0x1f9: {  	[hbm4b:s26+s2] =	stream.linear.scatter [tilespmem:s25], [sflag:$0x5], $0x80, $0x38;
	[tilespmem:$0x1F700] =	vst v63  }
0x1fa: {  	_ =	swait.ge [sflag:s11], $0x800  }
0x1fb: {  	s4 =	sor.u32 s19, s3;
	s8 =	sld [smem:$0x7EE]  }
0x1fc: {  	s0 =	sshrl.u32 s4, $0x3;
	[sflag:s11] =	ssyncset.done $0x0  }
0x1fd: {  	s14 =	sadd.s32 s14, s0;
	s9 =	sld [smem:$0x7EF];
	[sflag:s11] =	ssyncadd.s32 $0xFFFFF800  }
0x1fe: {  	[hbm4b:s14+s2] =	stream.linear.scatter [tilespmem:s8], [sflag:$0x5], $0x80, $0x38;
	[tilespmem:$0x1F700] =	vst v63  }
0x1ff: {  	s19 =	sadd.s32 $0x80, s14;
	s10 =	sld [smem:$0x7F0]  }
0x200: {  	[hbm4b:s19+s2] =	stream.linear.scatter [tilespmem:s9], [sflag:$0x5], $0x80, $0x38;
	[tilespmem:$0x1F700] =	vst v63  }
0x201: {  	s21 =	sadd.s32 $0x100, s14;
	s13 =	sld [smem:$0x7F1]  }
0x202: {  	[hbm4b:s21+s2] =	stream.linear.scatter [tilespmem:s10], [sflag:$0x5], $0x80, $0x38;
	[tilespmem:$0x1F700] =	vst v63  }
0x203: {  	s22 =	sadd.s32 $0x180, s14;
	s15 =	sld [smem:$0x7F2]  }
0x204: {  	[hbm4b:s22+s2] =	stream.linear.scatter [tilespmem:s13], [sflag:$0x5], $0x80, $0x38;
	[tilespmem:$0x1F700] =	vst v63  }
0x205: {  	s23 =	sadd.s32 $0x200, s14;
	s16 =	sld [smem:$0x7F3]  }
0x206: {  	[hbm4b:s23+s2] =	stream.linear.scatter [tilespmem:s15], [sflag:$0x5], $0x80, $0x38;
	[tilespmem:$0x1F700] =	vst v63  }
0x207: {  	s25 =	sadd.s32 $0x280, s14;
	s17 =	sld [smem:$0x7F4]  }
0x208: {  	[hbm4b:s25+s2] =	stream.linear.scatter [tilespmem:s16], [sflag:$0x5], $0x80, $0x38;
	[tilespmem:$0x1F700] =	vst v63  }
0x209: {  	s20 =	sadd.s32 $0x300, s14;
	s24 =	sld [smem:$0x7F5]  }
0x20a: {  	[hbm4b:s20+s2] =	stream.linear.scatter [tilespmem:s17], [sflag:$0x5], $0x80, $0x38;
	[tilespmem:$0x1F700] =	vst v63  }
0x20b: {  	s18 =	smov.u32 s26;
	s26 =	sadd.s32 $0x380, s14;
	s3 =	sld [smem:$0x7F6]  }
0x20c: {  	[hbm4b:s26+s2] =	stream.linear.scatter [tilespmem:s24], [sflag:$0x5], $0x80, $0x38;
	[tilespmem:$0x1F700] =	vst v63  }
0x20d: {  	s28 =	sadd.s32 $0x400, s14;
	s4 =	sld [smem:$0x7F7]  }
0x20e: {  	[hbm4b:s28+s2] =	stream.linear.scatter [tilespmem:s3], [sflag:$0x5], $0x80, $0x38;
	[tilespmem:$0x1F700] =	vst v63  }
0x20f: {  	s30 =	sadd.s32 $0x480, s14;
	s8 =	sld [smem:$0x7F8]  }
0x210: {  	[hbm4b:s30+s2] =	stream.linear.scatter [tilespmem:s4], [sflag:$0x5], $0x80, $0x38;
	[tilespmem:$0x1F700] =	vst v63  }
0x211: {  	s9 =	sld [smem:$0x7F9];
	s24 =	sadd.s32 $0x500, s14  }
0x212: {  	[hbm4b:s24+s2] =	stream.linear.scatter [tilespmem:s8], [sflag:$0x5], $0x80, $0x38;
	[tilespmem:$0x1F700] =	vst v63  }
0x213: {  	s1 =	sadd.s32 $0x580, s14;
	s10 =	sld [smem:$0x7FA]  }
0x214: {  	[hbm4b:s1+s2] =	stream.linear.scatter [tilespmem:s9], [sflag:$0x5], $0x80, $0x38;
	[tilespmem:$0x1F700] =	vst v63  }
0x215: {  	s29 =	sadd.s32 $0x600, s14;
	s13 =	sld [smem:$0x7FB]  }
0x216: {  	[hbm4b:s29+s2] =	stream.linear.scatter [tilespmem:s10], [sflag:$0x5], $0x80, $0x38;
	[tilespmem:$0x1F700] =	vst v63  }
0x217: {  	s0 =	sadd.s32 $0x680, s14;
	s15 =	sld [smem:$0x7FC]  }
0x218: {  	[hbm4b:s0+s2] =	stream.linear.scatter [tilespmem:s13], [sflag:$0x5], $0x80, $0x38;
	[tilespmem:$0x1F700] =	vst v63  }
0x219: {  	s31 =	sld [smem:$0x7FD];
	s3 =	sadd.s32 $0x700, s14  }
0x21a: {  	[hbm4b:s3+s2] =	stream.linear.scatter [tilespmem:s15], [sflag:$0x5], $0x80, $0x38;
	[tilespmem:$0x1F700] =	vst v63  }
0x21b: {  	s9 =	sadd.s32 $0x780, s14  }
0x21c: {  	[hbm4b:s9+s2] =	stream.linear.scatter [tilespmem:s31], [sflag:$0x5], $0x80, $0x38;
	[tilespmem:$0x1F700] =	vst v63  }
0x21d: {  	_ =	swait.ge [sflag:s11], $0x800  }
0x21e: {  	[sflag:s11] =	ssyncset.done $0x0  }
0x21f: {  	s31 =	simm.s32 $0x3;
	[sflag:s11] =	ssyncadd.s32 $0xFFFFF800  }
0x220: {  	s16 =	ssub.s32 $0x2, s12;
	_ =	swait.ge [sflag:s31], $0x800  }
0x221: {  	s17 =	sshrl.u32 s16, $0x1;
	[sflag:s31] =	ssyncset.done $0x0  }
0x222: {  	s10 =	ssub.s32 s16, s17;
	[sflag:s31] =	ssyncadd.s32 $0xFFFFF800  }
0x223: {  	s10 =	smax.u32 s10, $0x1;
	_ =	swait.ge [sflag:s31], $0x800  }
0x224: {  	p0 =	sne.s32 s10, $0x1;
	[sflag:s31] =	ssyncset.done $0x0  }
.Ltmp0:
0x225: {  	[sflag:s31] =	ssyncadd.s32 $0xFFFFF800;
	(pc) =	sbr.rel @!p0 .LBB2_3-.Ltmp0, $4  }
0x226: {  	_ =	swait.ge [sflag:s31], $0x800  }
0x227: {  	[sflag:s31] =	ssyncset.done $0x0  }
0x228: {  	[sflag:s31] =	ssyncadd.s32 $0xFFFFF800  }
0x229: {  	s10 =	sadd.s32 $0xFFFFFFFF, s10;
	_ =	swait.ge [sflag:s31], $0x800  }
0x22a: {  	s16 =	simm.s32 $0x80;
	s17 =	simm.s32 $0x400  }
.LBB2_2:
0x22b: {  	s13 =	rddreg [dreg:$0xa]  }
0x22c: {  	s4 =	rddreg [dreg:$0x9]  }
0x22d: {  	[sflag:s31] =	ssyncset.done $0x0;
	s8 =	rddreg [dreg:$0x6]  }
0x22e: {  	s15 =	rddreg [dreg:$0x5];
	[sflag:s31] =	ssyncadd.s32 $0xFFFFF800  }
0x22f: {  	[tilespmem:s2], [sflag:$0x1] =	stream.strided.gather [hbm4b:s8+s16], $0x18700, s17, s16, $0x38;
	[tilespmem:$0x1F700] =	vst v63  }
0x230: {  	s12 =	rddreg [dreg:$0xb]  }
0x231: {  	[tilespmem:s4], [sflag:$0x2] =	stream.linear.gather [hbm4b:s15+s2], $0x2000, $0x38;
	[tilespmem:$0x1F700] =	vst v63  }
0x232: {  	s8 =	rddreg [dreg:$0x7]  }
0x233: {  	[tilespmem:s12], [sflag:$0x2] =	stream.strided.gather [hbm4b:s8+s13], $0x1000, s17, s13, $0x38;
	[tilespmem:$0x1F700] =	vst v63  }
0x234: {  	_ =	swait.ge [sflag:s5], $0x2000  }
0x235: {  	[sflag:s5] =	ssyncset.done $0x0  }
0x236: {  	[sflag:s5] =	ssyncadd.s32 $0xFFFFE000  }
0x237: {  	_ =	swait.ge [sflag:s5], $0x1000  }
0x238: {  	[sflag:s5] =	ssyncset.done $0x0  }
0x239: {  	[sflag:s5] =	ssyncadd.s32 $0xFFFFF000  }
0x23a: {  	_ =	swait.ge [sflag:s6], $0x18700  }
0x23b: {  	[sflag:s6] =	ssyncset.done $0x0  }
0x23c: {  	[sflag:s6] =	ssyncadd.s32 $0xFFFE7900  }
0x23d: {  	[sflag:s7] =	ssyncadd.s32 $0x1  }
0x23e: {  	_ =	swait.ge [sflag:s7], $0x1  }
0x23f: {  	[sflag:s7] =	ssyncset.done $0x0;
	s8 =	rddreg [dreg:$0x8]  }
0x240: {  	s15 =	sld [smem:$0x731];
	[sflag:s7] =	ssyncadd.s32 $0xFFFFFFFF  }
0x241: {  	[tilespmem:s2], [sflag:$0x1] =	stream.strided.gather [hbm4b:s8+s16], $0x18700, s17, s16, $0x38;
	[tilespmem:$0x1F700] =	vst v63  }
0x242: {  	s13 =	rddreg [dreg:$0xc]  }
0x243: {  	[hbm4b:s15+s2] =	stream.linear.scatter [tilespmem:s13], [sflag:$0x3], $0x80, $0x38;
	[tilespmem:$0x1F700] =	vst v63  }
0x244: {  	s15 =	sld [smem:$0x723];
	_ =	sdelay $0x1  }
0x245: {  	s12 =	rddreg [dreg:$0xd]  }
0x246: {  	[hbm4b:s15+s2] =	stream.linear.scatter [tilespmem:s12], [sflag:$0x3], $0x80, $0x38;
	[tilespmem:$0x1F700] =	vst v63  }
0x247: {  	s15 =	sld [smem:$0x724];
	_ =	sdelay $0x1  }
0x248: {  	s4 =	rddreg [dreg:$0xe]  }
0x249: {  	[hbm4b:s15+s2] =	stream.linear.scatter [tilespmem:s4], [sflag:$0x3], $0x80, $0x38;
	[tilespmem:$0x1F700] =	vst v63  }
0x24a: {  	s15 =	sld [smem:$0x725];
	_ =	sdelay $0x1  }
0x24b: {  	s8 =	rddreg [dreg:$0xf]  }
0x24c: {  	[hbm4b:s15+s2] =	stream.linear.scatter [tilespmem:s8], [sflag:$0x3], $0x80, $0x38;
	[tilespmem:$0x1F700] =	vst v63  }
0x24d: {  	s15 =	sld [smem:$0x726];
	_ =	sdelay $0x1  }
0x24e: {  	s12 =	rddreg [dreg:$0x10]  }
0x24f: {  	[hbm4b:s15+s2] =	stream.linear.scatter [tilespmem:s12], [sflag:$0x3], $0x80, $0x38;
	[tilespmem:$0x1F700] =	vst v63  }
0x250: {  	s15 =	sld [smem:$0x727];
	_ =	sdelay $0x1  }
0x251: {  	s4 =	rddreg [dreg:$0x11]  }
0x252: {  	[hbm4b:s15+s2] =	stream.linear.scatter [tilespmem:s4], [sflag:$0x3], $0x80, $0x38;
	[tilespmem:$0x1F700] =	vst v63  }
0x253: {  	s15 =	sld [smem:$0x728];
	_ =	sdelay $0x1  }
0x254: {  	s8 =	rddreg [dreg:$0x12]  }
0x255: {  	[hbm4b:s15+s2] =	stream.linear.scatter [tilespmem:s8], [sflag:$0x3], $0x80, $0x38;
	[tilespmem:$0x1F700] =	vst v63  }
0x256: {  	s15 =	sld [smem:$0x729];
	_ =	sdelay $0x1  }
0x257: {  	s12 =	rddreg [dreg:$0x13]  }
0x258: {  	[hbm4b:s15+s2] =	stream.linear.scatter [tilespmem:s12], [sflag:$0x3], $0x80, $0x38;
	[tilespmem:$0x1F700] =	vst v63  }
0x259: {  	s15 =	sld [smem:$0x72A];
	_ =	sdelay $0x1  }
0x25a: {  	s4 =	rddreg [dreg:$0x14]  }
0x25b: {  	[hbm4b:s15+s2] =	stream.linear.scatter [tilespmem:s4], [sflag:$0x3], $0x80, $0x38;
	[tilespmem:$0x1F700] =	vst v63  }
0x25c: {  	s15 =	sld [smem:$0x72B];
	_ =	sdelay $0x1  }
0x25d: {  	s8 =	rddreg [dreg:$0x15]  }
0x25e: {  	[hbm4b:s15+s2] =	stream.linear.scatter [tilespmem:s8], [sflag:$0x3], $0x80, $0x38;
	[tilespmem:$0x1F700] =	vst v63  }
0x25f: {  	s15 =	sld [smem:$0x72C];
	_ =	sdelay $0x1  }
0x260: {  	s12 =	rddreg [dreg:$0x16]  }
0x261: {  	[hbm4b:s15+s2] =	stream.linear.scatter [tilespmem:s12], [sflag:$0x3], $0x80, $0x38;
	[tilespmem:$0x1F700] =	vst v63  }
0x262: {  	s15 =	sld [smem:$0x72D];
	_ =	sdelay $0x1  }
0x263: {  	s4 =	rddreg [dreg:$0x17]  }
0x264: {  	[hbm4b:s15+s2] =	stream.linear.scatter [tilespmem:s4], [sflag:$0x3], $0x80, $0x38;
	[tilespmem:$0x1F700] =	vst v63  }
0x265: {  	s15 =	sld [smem:$0x72E];
	_ =	sdelay $0x1  }
0x266: {  	s8 =	rddreg [dreg:$0x18]  }
0x267: {  	[hbm4b:s15+s2] =	stream.linear.scatter [tilespmem:s8], [sflag:$0x3], $0x80, $0x38;
	[tilespmem:$0x1F700] =	vst v63  }
0x268: {  	s15 =	sld [smem:$0x72F];
	_ =	sdelay $0x1  }
0x269: {  	s12 =	rddreg [dreg:$0x19]  }
0x26a: {  	[hbm4b:s15+s2] =	stream.linear.scatter [tilespmem:s12], [sflag:$0x3], $0x80, $0x38;
	[tilespmem:$0x1F700] =	vst v63  }
0x26b: {  	s15 =	sld [smem:$0x730];
	_ =	sdelay $0x1  }
0x26c: {  	s4 =	rddreg [dreg:$0x1a]  }
0x26d: {  	[hbm4b:s15+s2] =	stream.linear.scatter [tilespmem:s4], [sflag:$0x3], $0x80, $0x38;
	[tilespmem:$0x1F700] =	vst v63  }
0x26e: {  	s15 =	sld [smem:$0x732];
	_ =	sdelay $0x1  }
0x26f: {  	s8 =	rddreg [dreg:$0x1b]  }
0x270: {  	[hbm4b:s15+s2] =	stream.linear.scatter [tilespmem:s8], [sflag:$0x3], $0x80, $0x38;
	[tilespmem:$0x1F700] =	vst v63  }
0x271: {  	s15 =	sld [smem:$0x74D];
	_ =	sdelay $0x1  }
0x272: {  	s12 =	rddreg [dreg:$0x1c]  }
0x273: {  	[hbm4b:s15+s2] =	stream.linear.scatter [tilespmem:s12], [sflag:$0x3], $0x80, $0x38;
	[tilespmem:$0x1F700] =	vst v63  }
0x274: {  	s15 =	sld [smem:$0x733];
	_ =	sdelay $0x1  }
0x275: {  	s4 =	rddreg [dreg:$0x1d]  }
0x276: {  	[hbm4b:s15+s2] =	stream.linear.scatter [tilespmem:s4], [sflag:$0x3], $0x80, $0x38;
	[tilespmem:$0x1F700] =	vst v63  }
0x277: {  	s15 =	sld [smem:$0x734];
	_ =	sdelay $0x1  }
0x278: {  	s8 =	rddreg [dreg:$0x1e]  }
0x279: {  	[hbm4b:s15+s2] =	stream.linear.scatter [tilespmem:s8], [sflag:$0x3], $0x80, $0x38;
	[tilespmem:$0x1F700] =	vst v63  }
0x27a: {  	s15 =	sld [smem:$0x736]  }
0x27b: {  	s12 =	rddreg [dreg:$0x1f]  }
0x27c: {  	s4 =	sld [smem:$0x735]  }
0x27d: {  	[hbm4b:s15+s2] =	stream.linear.scatter [tilespmem:s12], [sflag:$0x3], $0x80, $0x38;
	[tilespmem:$0x1F700] =	vst v63  }
0x27e: {  	s15 =	sld [smem:$0x738];
	_ =	sdelay $0x1  }
0x27f: {  	s8 =	sld [smem:$0x737]  }
0x280: {  	[hbm4b:s15+s2] =	stream.linear.scatter [tilespmem:s4], [sflag:$0x3], $0x80, $0x38;
	[tilespmem:$0x1F700] =	vst v63  }
0x281: {  	s15 =	sld [smem:$0x73A];
	_ =	sdelay $0x1  }
0x282: {  	s12 =	sld [smem:$0x739]  }
0x283: {  	[hbm4b:s15+s2] =	stream.linear.scatter [tilespmem:s8], [sflag:$0x3], $0x80, $0x38;
	[tilespmem:$0x1F700] =	vst v63  }
0x284: {  	s15 =	sld [smem:$0x73C];
	_ =	sdelay $0x1  }
0x285: {  	s4 =	sld [smem:$0x73B]  }
0x286: {  	[hbm4b:s15+s2] =	stream.linear.scatter [tilespmem:s12], [sflag:$0x3], $0x80, $0x38;
	[tilespmem:$0x1F700] =	vst v63  }
0x287: {  	s15 =	sld [smem:$0x73E];
	_ =	sdelay $0x1  }
0x288: {  	s8 =	sld [smem:$0x73D]  }
0x289: {  	[hbm4b:s15+s2] =	stream.linear.scatter [tilespmem:s4], [sflag:$0x3], $0x80, $0x38;
	[tilespmem:$0x1F700] =	vst v63  }
0x28a: {  	s15 =	sld [smem:$0x740];
	_ =	sdelay $0x1  }
0x28b: {  	s12 =	sld [smem:$0x73F]  }
0x28c: {  	[hbm4b:s15+s2] =	stream.linear.scatter [tilespmem:s8], [sflag:$0x3], $0x80, $0x38;
	[tilespmem:$0x1F700] =	vst v63  }
0x28d: {  	s15 =	sld [smem:$0x742];
	_ =	sdelay $0x1  }
0x28e: {  	s4 =	sld [smem:$0x741]  }
0x28f: {  	[hbm4b:s15+s2] =	stream.linear.scatter [tilespmem:s12], [sflag:$0x3], $0x80, $0x38;
	[tilespmem:$0x1F700] =	vst v63  }
0x290: {  	s15 =	sld [smem:$0x744];
	_ =	sdelay $0x1  }
0x291: {  	s8 =	sld [smem:$0x743]  }
0x292: {  	[hbm4b:s15+s2] =	stream.linear.scatter [tilespmem:s4], [sflag:$0x3], $0x80, $0x38;
	[tilespmem:$0x1F700] =	vst v63  }
0x293: {  	s15 =	sld [smem:$0x746];
	_ =	sdelay $0x1  }
0x294: {  	s12 =	sld [smem:$0x745]  }
0x295: {  	[hbm4b:s15+s2] =	stream.linear.scatter [tilespmem:s8], [sflag:$0x3], $0x80, $0x38;
	[tilespmem:$0x1F700] =	vst v63  }
0x296: {  	s15 =	sld [smem:$0x748];
	_ =	sdelay $0x1  }
0x297: {  	s4 =	sld [smem:$0x747]  }
0x298: {  	[hbm4b:s15+s2] =	stream.linear.scatter [tilespmem:s12], [sflag:$0x3], $0x80, $0x38;
	[tilespmem:$0x1F700] =	vst v63  }
0x299: {  	s15 =	sld [smem:$0x74A];
	_ =	sdelay $0x1  }
0x29a: {  	s8 =	sld [smem:$0x749]  }
0x29b: {  	[hbm4b:s15+s2] =	stream.linear.scatter [tilespmem:s4], [sflag:$0x3], $0x80, $0x38;
	[tilespmem:$0x1F700] =	vst v63  }
0x29c: {  	s15 =	sld [smem:$0x74C];
	_ =	sdelay $0x1  }
0x29d: {  	s12 =	sld [smem:$0x74B]  }
0x29e: {  	[hbm4b:s15+s2] =	stream.linear.scatter [tilespmem:s8], [sflag:$0x3], $0x80, $0x38;
	[tilespmem:$0x1F700] =	vst v63  }
0x29f: {  	s15 =	sld [smem:$0x74E];
	_ =	sdelay $0x1  }
0x2a0: {  	s4 =	sld [smem:$0x74F]  }
0x2a1: {  	[hbm4b:s15+s2] =	stream.linear.scatter [tilespmem:s12], [sflag:$0x3], $0x80, $0x38;
	[tilespmem:$0x1F700] =	vst v63  }
0x2a2: {  	s15 =	sld [smem:$0x76D];
	_ =	sdelay $0x1  }
0x2a3: {  	s8 =	sld [smem:$0x750]  }
0x2a4: {  	[hbm4b:s15+s2] =	stream.linear.scatter [tilespmem:s4], [sflag:$0x3], $0x80, $0x38;
	[tilespmem:$0x1F700] =	vst v63  }
0x2a5: {  	s15 =	sld [smem:$0x752];
	_ =	sdelay $0x1  }
0x2a6: {  	s12 =	sld [smem:$0x751]  }
0x2a7: {  	[hbm4b:s15+s2] =	stream.linear.scatter [tilespmem:s8], [sflag:$0x3], $0x80, $0x38;
	[tilespmem:$0x1F700] =	vst v63  }
0x2a8: {  	s15 =	sld [smem:$0x754];
	_ =	sdelay $0x1  }
0x2a9: {  	s4 =	sld [smem:$0x753]  }
0x2aa: {  	[hbm4b:s15+s2] =	stream.linear.scatter [tilespmem:s12], [sflag:$0x3], $0x80, $0x38;
	[tilespmem:$0x1F700] =	vst v63  }
0x2ab: {  	s15 =	sld [smem:$0x756];
	_ =	sdelay $0x1  }
0x2ac: {  	s8 =	sld [smem:$0x755]  }
0x2ad: {  	[hbm4b:s15+s2] =	stream.linear.scatter [tilespmem:s4], [sflag:$0x3], $0x80, $0x38;
	[tilespmem:$0x1F700] =	vst v63  }
0x2ae: {  	s15 =	sld [smem:$0x758];
	_ =	sdelay $0x1  }
0x2af: {  	s12 =	sld [smem:$0x757]  }
0x2b0: {  	[hbm4b:s15+s2] =	stream.linear.scatter [tilespmem:s8], [sflag:$0x3], $0x80, $0x38;
	[tilespmem:$0x1F700] =	vst v63  }
0x2b1: {  	s15 =	sld [smem:$0x75A];
	_ =	sdelay $0x1  }
0x2b2: {  	s4 =	sld [smem:$0x759]  }
0x2b3: {  	[hbm4b:s15+s2] =	stream.linear.scatter [tilespmem:s12], [sflag:$0x3], $0x80, $0x38;
	[tilespmem:$0x1F700] =	vst v63  }
0x2b4: {  	s15 =	sld [smem:$0x75C];
	_ =	sdelay $0x1  }
0x2b5: {  	s8 =	sld [smem:$0x75B]  }
0x2b6: {  	[hbm4b:s15+s2] =	stream.linear.scatter [tilespmem:s4], [sflag:$0x3], $0x80, $0x38;
	[tilespmem:$0x1F700] =	vst v63  }
0x2b7: {  	s15 =	sld [smem:$0x75E];
	_ =	sdelay $0x1  }
0x2b8: {  	s12 =	sld [smem:$0x75D]  }
0x2b9: {  	[hbm4b:s15+s2] =	stream.linear.scatter [tilespmem:s8], [sflag:$0x3], $0x80, $0x38;
	[tilespmem:$0x1F700] =	vst v63  }
0x2ba: {  	s15 =	sld [smem:$0x760];
	_ =	sdelay $0x1  }
0x2bb: {  	s4 =	sld [smem:$0x75F]  }
0x2bc: {  	[hbm4b:s15+s2] =	stream.linear.scatter [tilespmem:s12], [sflag:$0x3], $0x80, $0x38;
	[tilespmem:$0x1F700] =	vst v63  }
0x2bd: {  	s15 =	sld [smem:$0x762];
	_ =	sdelay $0x1  }
0x2be: {  	s8 =	sld [smem:$0x761]  }
0x2bf: {  	[hbm4b:s15+s2] =	stream.linear.scatter [tilespmem:s4], [sflag:$0x3], $0x80, $0x38;
	[tilespmem:$0x1F700] =	vst v63  }
0x2c0: {  	s15 =	sld [smem:$0x764];
	_ =	sdelay $0x1  }
0x2c1: {  	s12 =	sld [smem:$0x763]  }
0x2c2: {  	[hbm4b:s15+s2] =	stream.linear.scatter [tilespmem:s8], [sflag:$0x3], $0x80, $0x38;
	[tilespmem:$0x1F700] =	vst v63  }
0x2c3: {  	s15 =	sld [smem:$0x766];
	_ =	sdelay $0x1  }
0x2c4: {  	s4 =	sld [smem:$0x765]  }
0x2c5: {  	[hbm4b:s15+s2] =	stream.linear.scatter [tilespmem:s12], [sflag:$0x3], $0x80, $0x38;
	[tilespmem:$0x1F700] =	vst v63  }
0x2c6: {  	s15 =	sld [smem:$0x768];
	_ =	sdelay $0x1  }
0x2c7: {  	s8 =	sld [smem:$0x767]  }
0x2c8: {  	[hbm4b:s15+s2] =	stream.linear.scatter [tilespmem:s4], [sflag:$0x3], $0x80, $0x38;
	[tilespmem:$0x1F700] =	vst v63  }
0x2c9: {  	s15 =	sld [smem:$0x76A];
	_ =	sdelay $0x1  }
0x2ca: {  	s12 =	sld [smem:$0x769]  }
0x2cb: {  	[hbm4b:s15+s2] =	stream.linear.scatter [tilespmem:s8], [sflag:$0x3], $0x80, $0x38;
	[tilespmem:$0x1F700] =	vst v63  }
0x2cc: {  	s15 =	sld [smem:$0x76C];
	_ =	sdelay $0x1  }
0x2cd: {  	s4 =	sld [smem:$0x76B]  }
0x2ce: {  	[hbm4b:s15+s2] =	stream.linear.scatter [tilespmem:s12], [sflag:$0x3], $0x80, $0x38;
	[tilespmem:$0x1F700] =	vst v63  }
0x2cf: {  	s15 =	sld [smem:$0x76E];
	_ =	sdelay $0x1  }
0x2d0: {  	s8 =	sld [smem:$0x76F]  }
0x2d1: {  	[hbm4b:s15+s2] =	stream.linear.scatter [tilespmem:s4], [sflag:$0x3], $0x80, $0x38;
	[tilespmem:$0x1F700] =	vst v63  }
0x2d2: {  	s15 =	sld [smem:$0x78D];
	_ =	sdelay $0x1  }
0x2d3: {  	s12 =	sld [smem:$0x770]  }
0x2d4: {  	[hbm4b:s15+s2] =	stream.linear.scatter [tilespmem:s8], [sflag:$0x3], $0x80, $0x38;
	[tilespmem:$0x1F700] =	vst v63  }
0x2d5: {  	s15 =	sld [smem:$0x772];
	_ =	sdelay $0x1  }
0x2d6: {  	s4 =	sld [smem:$0x771]  }
0x2d7: {  	[hbm4b:s15+s2] =	stream.linear.scatter [tilespmem:s12], [sflag:$0x3], $0x80, $0x38;
	[tilespmem:$0x1F700] =	vst v63  }
0x2d8: {  	s15 =	sld [smem:$0x774];
	_ =	sdelay $0x1  }
0x2d9: {  	s8 =	sld [smem:$0x773]  }
0x2da: {  	[hbm4b:s15+s2] =	stream.linear.scatter [tilespmem:s4], [sflag:$0x3], $0x80, $0x38;
	[tilespmem:$0x1F700] =	vst v63  }
0x2db: {  	s15 =	sld [smem:$0x776];
	_ =	sdelay $0x1  }
0x2dc: {  	s12 =	sld [smem:$0x775]  }
0x2dd: {  	[hbm4b:s15+s2] =	stream.linear.scatter [tilespmem:s8], [sflag:$0x3], $0x80, $0x38;
	[tilespmem:$0x1F700] =	vst v63  }
0x2de: {  	s15 =	sld [smem:$0x778];
	_ =	sdelay $0x1  }
0x2df: {  	s4 =	sld [smem:$0x777]  }
0x2e0: {  	[hbm4b:s15+s2] =	stream.linear.scatter [tilespmem:s12], [sflag:$0x3], $0x80, $0x38;
	[tilespmem:$0x1F700] =	vst v63  }
0x2e1: {  	s15 =	sld [smem:$0x77A];
	_ =	sdelay $0x1  }
0x2e2: {  	s8 =	sld [smem:$0x779]  }
0x2e3: {  	[hbm4b:s15+s2] =	stream.linear.scatter [tilespmem:s4], [sflag:$0x3], $0x80, $0x38;
	[tilespmem:$0x1F700] =	vst v63  }
0x2e4: {  	s15 =	sld [smem:$0x77C];
	_ =	sdelay $0x1  }
0x2e5: {  	s12 =	sld [smem:$0x77B]  }
0x2e6: {  	[hbm4b:s15+s2] =	stream.linear.scatter [tilespmem:s8], [sflag:$0x3], $0x80, $0x38;
	[tilespmem:$0x1F700] =	vst v63  }
0x2e7: {  	s15 =	sld [smem:$0x77E];
	_ =	sdelay $0x1  }
0x2e8: {  	s4 =	sld [smem:$0x77D]  }
0x2e9: {  	[hbm4b:s15+s2] =	stream.linear.scatter [tilespmem:s12], [sflag:$0x3], $0x80, $0x38;
	[tilespmem:$0x1F700] =	vst v63  }
0x2ea: {  	s15 =	sld [smem:$0x780];
	_ =	sdelay $0x1  }
0x2eb: {  	s8 =	sld [smem:$0x77F]  }
0x2ec: {  	[hbm4b:s15+s2] =	stream.linear.scatter [tilespmem:s4], [sflag:$0x3], $0x80, $0x38;
	[tilespmem:$0x1F700] =	vst v63  }
0x2ed: {  	s15 =	sld [smem:$0x782];
	_ =	sdelay $0x1  }
0x2ee: {  	s12 =	sld [smem:$0x781]  }
0x2ef: {  	[hbm4b:s15+s2] =	stream.linear.scatter [tilespmem:s8], [sflag:$0x3], $0x80, $0x38;
	[tilespmem:$0x1F700] =	vst v63  }
0x2f0: {  	s15 =	sld [smem:$0x784];
	_ =	sdelay $0x1  }
0x2f1: {  	s4 =	sld [smem:$0x783]  }
0x2f2: {  	[hbm4b:s15+s2] =	stream.linear.scatter [tilespmem:s12], [sflag:$0x3], $0x80, $0x38;
	[tilespmem:$0x1F700] =	vst v63  }
0x2f3: {  	s15 =	sld [smem:$0x786];
	_ =	sdelay $0x1  }
0x2f4: {  	s8 =	sld [smem:$0x785]  }
0x2f5: {  	[hbm4b:s15+s2] =	stream.linear.scatter [tilespmem:s4], [sflag:$0x3], $0x80, $0x38;
	[tilespmem:$0x1F700] =	vst v63  }
0x2f6: {  	s15 =	sld [smem:$0x788];
	_ =	sdelay $0x1  }
0x2f7: {  	s12 =	sld [smem:$0x787]  }
0x2f8: {  	[hbm4b:s15+s2] =	stream.linear.scatter [tilespmem:s8], [sflag:$0x3], $0x80, $0x38;
	[tilespmem:$0x1F700] =	vst v63  }
0x2f9: {  	s15 =	sld [smem:$0x78A];
	_ =	sdelay $0x1  }
0x2fa: {  	s4 =	sld [smem:$0x789]  }
0x2fb: {  	[hbm4b:s15+s2] =	stream.linear.scatter [tilespmem:s12], [sflag:$0x3], $0x80, $0x38;
	[tilespmem:$0x1F700] =	vst v63  }
0x2fc: {  	s15 =	sld [smem:$0x78C]  }
0x2fd: {  	s8 =	sld [smem:$0x78B]  }
0x2fe: {  	s12 =	sld [smem:$0x78E]  }
0x2ff: {  	[hbm4b:s15+s2] =	stream.linear.scatter [tilespmem:s4], [sflag:$0x3], $0x80, $0x38;
	[tilespmem:$0x1F700] =	vst v63  }
0x300: {  	_ = 	snop  }
0x301: {  	[hbm4b:s12+s2] =	stream.linear.scatter [tilespmem:s8], [sflag:$0x3], $0x80, $0x38;
	[tilespmem:$0x1F700] =	vst v63  }
0x302: {  	_ =	swait.ge [sflag:s6], $0x18700  }
0x303: {  	[sflag:s6] =	ssyncset.done $0x0  }
0x304: {  	[sflag:s6] =	ssyncadd.s32 $0xFFFE7900  }
0x305: {  	[sflag:s7] =	ssyncadd.s32 $0x1  }
0x306: {  	_ =	swait.ge [sflag:s7], $0x1  }
0x307: {  	s13 =	sld [smem:$0x78F]  }
0x308: {  	s15 =	sld [smem:$0x7AD]  }
0x309: {  	[sflag:s7] =	ssyncset.done $0x0  }
0x30a: {  	s8 =	sld [smem:$0x790];
	[sflag:s7] =	ssyncadd.s32 $0xFFFFFFFF  }
0x30b: {  	[hbm4b:s15+s2] =	stream.linear.scatter [tilespmem:s13], [sflag:$0x5], $0x80, $0x38;
	[tilespmem:$0x1F700] =	vst v63  }
0x30c: {  	s15 =	sld [smem:$0x792];
	_ =	sdelay $0x1  }
0x30d: {  	s12 =	sld [smem:$0x791]  }
0x30e: {  	[hbm4b:s15+s2] =	stream.linear.scatter [tilespmem:s8], [sflag:$0x5], $0x80, $0x38;
	[tilespmem:$0x1F700] =	vst v63  }
0x30f: {  	s15 =	sld [smem:$0x794];
	_ =	sdelay $0x1  }
0x310: {  	s4 =	sld [smem:$0x793]  }
0x311: {  	[hbm4b:s15+s2] =	stream.linear.scatter [tilespmem:s12], [sflag:$0x5], $0x80, $0x38;
	[tilespmem:$0x1F700] =	vst v63  }
0x312: {  	s15 =	sld [smem:$0x796];
	_ =	sdelay $0x1  }
0x313: {  	s8 =	sld [smem:$0x795]  }
0x314: {  	[hbm4b:s15+s2] =	stream.linear.scatter [tilespmem:s4], [sflag:$0x5], $0x80, $0x38;
	[tilespmem:$0x1F700] =	vst v63  }
0x315: {  	s15 =	sld [smem:$0x798];
	_ =	sdelay $0x1  }
0x316: {  	s12 =	sld [smem:$0x797]  }
0x317: {  	[hbm4b:s15+s2] =	stream.linear.scatter [tilespmem:s8], [sflag:$0x5], $0x80, $0x38;
	[tilespmem:$0x1F700] =	vst v63  }
0x318: {  	s15 =	sld [smem:$0x79A];
	_ =	sdelay $0x1  }
0x319: {  	s4 =	sld [smem:$0x799]  }
0x31a: {  	[hbm4b:s15+s2] =	stream.linear.scatter [tilespmem:s12], [sflag:$0x5], $0x80, $0x38;
	[tilespmem:$0x1F700] =	vst v63  }
0x31b: {  	s15 =	sld [smem:$0x79C];
	_ =	sdelay $0x1  }
0x31c: {  	s8 =	sld [smem:$0x79B]  }
0x31d: {  	[hbm4b:s15+s2] =	stream.linear.scatter [tilespmem:s4], [sflag:$0x5], $0x80, $0x38;
	[tilespmem:$0x1F700] =	vst v63  }
0x31e: {  	s15 =	sld [smem:$0x79E];
	_ =	sdelay $0x1  }
0x31f: {  	s12 =	sld [smem:$0x79D]  }
0x320: {  	[hbm4b:s15+s2] =	stream.linear.scatter [tilespmem:s8], [sflag:$0x5], $0x80, $0x38;
	[tilespmem:$0x1F700] =	vst v63  }
0x321: {  	s15 =	sld [smem:$0x7A0];
	_ =	sdelay $0x1  }
0x322: {  	s4 =	sld [smem:$0x79F]  }
0x323: {  	[hbm4b:s15+s2] =	stream.linear.scatter [tilespmem:s12], [sflag:$0x5], $0x80, $0x38;
	[tilespmem:$0x1F700] =	vst v63  }
0x324: {  	s15 =	sld [smem:$0x7A2];
	_ =	sdelay $0x1  }
0x325: {  	s8 =	sld [smem:$0x7A1]  }
0x326: {  	[hbm4b:s15+s2] =	stream.linear.scatter [tilespmem:s4], [sflag:$0x5], $0x80, $0x38;
	[tilespmem:$0x1F700] =	vst v63  }
0x327: {  	s15 =	sld [smem:$0x7A4];
	_ =	sdelay $0x1  }
0x328: {  	s12 =	sld [smem:$0x7A3]  }
0x329: {  	[hbm4b:s15+s2] =	stream.linear.scatter [tilespmem:s8], [sflag:$0x5], $0x80, $0x38;
	[tilespmem:$0x1F700] =	vst v63  }
0x32a: {  	s15 =	sld [smem:$0x7A6];
	_ =	sdelay $0x1  }
0x32b: {  	s4 =	sld [smem:$0x7A5]  }
0x32c: {  	[hbm4b:s15+s2] =	stream.linear.scatter [tilespmem:s12], [sflag:$0x5], $0x80, $0x38;
	[tilespmem:$0x1F700] =	vst v63  }
0x32d: {  	s15 =	sld [smem:$0x7A8];
	_ =	sdelay $0x1  }
0x32e: {  	s8 =	sld [smem:$0x7A7]  }
0x32f: {  	[hbm4b:s15+s2] =	stream.linear.scatter [tilespmem:s4], [sflag:$0x5], $0x80, $0x38;
	[tilespmem:$0x1F700] =	vst v63  }
0x330: {  	s15 =	sld [smem:$0x7AA];
	_ =	sdelay $0x1  }
0x331: {  	s12 =	sld [smem:$0x7A9]  }
0x332: {  	[hbm4b:s15+s2] =	stream.linear.scatter [tilespmem:s8], [sflag:$0x5], $0x80, $0x38;
	[tilespmem:$0x1F700] =	vst v63  }
0x333: {  	s15 =	sld [smem:$0x7AC];
	_ =	sdelay $0x1  }
0x334: {  	s4 =	sld [smem:$0x7AB]  }
0x335: {  	[hbm4b:s15+s2] =	stream.linear.scatter [tilespmem:s12], [sflag:$0x5], $0x80, $0x38;
	[tilespmem:$0x1F700] =	vst v63  }
0x336: {  	s12 =	sld [smem:$0x7AE];
	_ =	sdelay $0x2  }
0x337: {  	[hbm4b:s12+s2] =	stream.linear.scatter [tilespmem:s4], [sflag:$0x5], $0x80, $0x38;
	[tilespmem:$0x1F700] =	vst v63  }
0x338: {  	_ =	swait.ge [sflag:s11], $0x800  }
0x339: {  	s13 =	sld [smem:$0x7AF]  }
0x33a: {  	s15 =	sld [smem:$0x7CD]  }
0x33b: {  	[sflag:s11] =	ssyncset.done $0x0  }
0x33c: {  	s8 =	sld [smem:$0x7B0];
	[sflag:s11] =	ssyncadd.s32 $0xFFFFF800  }
0x33d: {  	[hbm4b:s15+s2] =	stream.linear.scatter [tilespmem:s13], [sflag:$0x5], $0x80, $0x38;
	[tilespmem:$0x1F700] =	vst v63  }
0x33e: {  	s15 =	sld [smem:$0x7B2];
	_ =	sdelay $0x1  }
0x33f: {  	s12 =	sld [smem:$0x7B1]  }
0x340: {  	[hbm4b:s15+s2] =	stream.linear.scatter [tilespmem:s8], [sflag:$0x5], $0x80, $0x38;
	[tilespmem:$0x1F700] =	vst v63  }
0x341: {  	s15 =	sld [smem:$0x7B4];
	_ =	sdelay $0x1  }
0x342: {  	s4 =	sld [smem:$0x7B3]  }
0x343: {  	[hbm4b:s15+s2] =	stream.linear.scatter [tilespmem:s12], [sflag:$0x5], $0x80, $0x38;
	[tilespmem:$0x1F700] =	vst v63  }
0x344: {  	s15 =	sld [smem:$0x7B6];
	_ =	sdelay $0x1  }
0x345: {  	s8 =	sld [smem:$0x7B5]  }
0x346: {  	[hbm4b:s15+s2] =	stream.linear.scatter [tilespmem:s4], [sflag:$0x5], $0x80, $0x38;
	[tilespmem:$0x1F700] =	vst v63  }
0x347: {  	s15 =	sld [smem:$0x7B8];
	_ =	sdelay $0x1  }
0x348: {  	s12 =	sld [smem:$0x7B7]  }
0x349: {  	[hbm4b:s15+s2] =	stream.linear.scatter [tilespmem:s8], [sflag:$0x5], $0x80, $0x38;
	[tilespmem:$0x1F700] =	vst v63  }
0x34a: {  	s15 =	sld [smem:$0x7BA];
	_ =	sdelay $0x1  }
0x34b: {  	s4 =	sld [smem:$0x7B9]  }
0x34c: {  	[hbm4b:s15+s2] =	stream.linear.scatter [tilespmem:s12], [sflag:$0x5], $0x80, $0x38;
	[tilespmem:$0x1F700] =	vst v63  }
0x34d: {  	s15 =	sld [smem:$0x7BC];
	_ =	sdelay $0x1  }
0x34e: {  	s8 =	sld [smem:$0x7BB]  }
0x34f: {  	[hbm4b:s15+s2] =	stream.linear.scatter [tilespmem:s4], [sflag:$0x5], $0x80, $0x38;
	[tilespmem:$0x1F700] =	vst v63  }
0x350: {  	s15 =	sld [smem:$0x7BE];
	_ =	sdelay $0x1  }
0x351: {  	s12 =	sld [smem:$0x7BD]  }
0x352: {  	[hbm4b:s15+s2] =	stream.linear.scatter [tilespmem:s8], [sflag:$0x5], $0x80, $0x38;
	[tilespmem:$0x1F700] =	vst v63  }
0x353: {  	s15 =	sld [smem:$0x7C0];
	_ =	sdelay $0x1  }
0x354: {  	s4 =	sld [smem:$0x7BF]  }
0x355: {  	[hbm4b:s15+s2] =	stream.linear.scatter [tilespmem:s12], [sflag:$0x5], $0x80, $0x38;
	[tilespmem:$0x1F700] =	vst v63  }
0x356: {  	s15 =	sld [smem:$0x7C2];
	_ =	sdelay $0x1  }
0x357: {  	s8 =	sld [smem:$0x7C1]  }
0x358: {  	[hbm4b:s15+s2] =	stream.linear.scatter [tilespmem:s4], [sflag:$0x5], $0x80, $0x38;
	[tilespmem:$0x1F700] =	vst v63  }
0x359: {  	s15 =	sld [smem:$0x7C4];
	_ =	sdelay $0x1  }
0x35a: {  	s12 =	sld [smem:$0x7C3]  }
0x35b: {  	[hbm4b:s15+s2] =	stream.linear.scatter [tilespmem:s8], [sflag:$0x5], $0x80, $0x38;
	[tilespmem:$0x1F700] =	vst v63  }
0x35c: {  	s15 =	sld [smem:$0x7C6];
	_ =	sdelay $0x1  }
0x35d: {  	s4 =	sld [smem:$0x7C5]  }
0x35e: {  	[hbm4b:s15+s2] =	stream.linear.scatter [tilespmem:s12], [sflag:$0x5], $0x80, $0x38;
	[tilespmem:$0x1F700] =	vst v63  }
0x35f: {  	s15 =	sld [smem:$0x7C8];
	_ =	sdelay $0x1  }
0x360: {  	s8 =	sld [smem:$0x7C7]  }
0x361: {  	[hbm4b:s15+s2] =	stream.linear.scatter [tilespmem:s4], [sflag:$0x5], $0x80, $0x38;
	[tilespmem:$0x1F700] =	vst v63  }
0x362: {  	s15 =	sld [smem:$0x7CA];
	_ =	sdelay $0x1  }
0x363: {  	s12 =	sld [smem:$0x7C9]  }
0x364: {  	[hbm4b:s15+s2] =	stream.linear.scatter [tilespmem:s8], [sflag:$0x5], $0x80, $0x38;
	[tilespmem:$0x1F700] =	vst v63  }
0x365: {  	s15 =	sld [smem:$0x7CC];
	_ =	sdelay $0x1  }
0x366: {  	s4 =	sld [smem:$0x7CB]  }
0x367: {  	[hbm4b:s15+s2] =	stream.linear.scatter [tilespmem:s12], [sflag:$0x5], $0x80, $0x38;
	[tilespmem:$0x1F700] =	vst v63  }
0x368: {  	s12 =	sld [smem:$0x7CE];
	_ =	sdelay $0x2  }
0x369: {  	[hbm4b:s12+s2] =	stream.linear.scatter [tilespmem:s4], [sflag:$0x5], $0x80, $0x38;
	[tilespmem:$0x1F700] =	vst v63  }
0x36a: {  	_ =	swait.ge [sflag:s11], $0x800  }
0x36b: {  	s13 =	sld [smem:$0x7CF]  }
0x36c: {  	s15 =	sld [smem:$0x7ED]  }
0x36d: {  	[sflag:s11] =	ssyncset.done $0x0  }
0x36e: {  	s8 =	sld [smem:$0x7D0];
	[sflag:s11] =	ssyncadd.s32 $0xFFFFF800  }
0x36f: {  	[hbm4b:s15+s2] =	stream.linear.scatter [tilespmem:s13], [sflag:$0x5], $0x80, $0x38;
	[tilespmem:$0x1F700] =	vst v63  }
0x370: {  	s15 =	sld [smem:$0x7D2];
	_ =	sdelay $0x1  }
0x371: {  	s12 =	sld [smem:$0x7D1]  }
0x372: {  	[hbm4b:s15+s2] =	stream.linear.scatter [tilespmem:s8], [sflag:$0x5], $0x80, $0x38;
	[tilespmem:$0x1F700] =	vst v63  }
0x373: {  	s15 =	sld [smem:$0x7D4];
	_ =	sdelay $0x1  }
0x374: {  	s4 =	sld [smem:$0x7D3]  }
0x375: {  	[hbm4b:s15+s2] =	stream.linear.scatter [tilespmem:s12], [sflag:$0x5], $0x80, $0x38;
	[tilespmem:$0x1F700] =	vst v63  }
0x376: {  	s15 =	sld [smem:$0x7D6];
	_ =	sdelay $0x1  }
0x377: {  	s8 =	sld [smem:$0x7D5]  }
0x378: {  	[hbm4b:s15+s2] =	stream.linear.scatter [tilespmem:s4], [sflag:$0x5], $0x80, $0x38;
	[tilespmem:$0x1F700] =	vst v63  }
0x379: {  	s15 =	sld [smem:$0x7D8];
	_ =	sdelay $0x1  }
0x37a: {  	s12 =	sld [smem:$0x7D7]  }
0x37b: {  	[hbm4b:s15+s2] =	stream.linear.scatter [tilespmem:s8], [sflag:$0x5], $0x80, $0x38;
	[tilespmem:$0x1F700] =	vst v63  }
0x37c: {  	s15 =	sld [smem:$0x7DA];
	_ =	sdelay $0x1  }
0x37d: {  	s4 =	sld [smem:$0x7D9]  }
0x37e: {  	[hbm4b:s15+s2] =	stream.linear.scatter [tilespmem:s12], [sflag:$0x5], $0x80, $0x38;
	[tilespmem:$0x1F700] =	vst v63  }
0x37f: {  	s15 =	sld [smem:$0x7DC];
	_ =	sdelay $0x1  }
0x380: {  	s8 =	sld [smem:$0x7DB]  }
0x381: {  	[hbm4b:s15+s2] =	stream.linear.scatter [tilespmem:s4], [sflag:$0x5], $0x80, $0x38;
	[tilespmem:$0x1F700] =	vst v63  }
0x382: {  	s15 =	sld [smem:$0x7DE];
	_ =	sdelay $0x1  }
0x383: {  	s12 =	sld [smem:$0x7DD]  }
0x384: {  	[hbm4b:s15+s2] =	stream.linear.scatter [tilespmem:s8], [sflag:$0x5], $0x80, $0x38;
	[tilespmem:$0x1F700] =	vst v63  }
0x385: {  	s15 =	sld [smem:$0x7E0];
	_ =	sdelay $0x1  }
0x386: {  	s4 =	sld [smem:$0x7DF]  }
0x387: {  	[hbm4b:s15+s2] =	stream.linear.scatter [tilespmem:s12], [sflag:$0x5], $0x80, $0x38;
	[tilespmem:$0x1F700] =	vst v63  }
0x388: {  	s15 =	sld [smem:$0x7E2];
	_ =	sdelay $0x1  }
0x389: {  	s8 =	sld [smem:$0x7E1]  }
0x38a: {  	[hbm4b:s15+s2] =	stream.linear.scatter [tilespmem:s4], [sflag:$0x5], $0x80, $0x38;
	[tilespmem:$0x1F700] =	vst v63  }
0x38b: {  	s15 =	sld [smem:$0x7E4];
	_ =	sdelay $0x1  }
0x38c: {  	s12 =	sld [smem:$0x7E3]  }
0x38d: {  	[hbm4b:s15+s2] =	stream.linear.scatter [tilespmem:s8], [sflag:$0x5], $0x80, $0x38;
	[tilespmem:$0x1F700] =	vst v63  }
0x38e: {  	s15 =	sld [smem:$0x7E6];
	_ =	sdelay $0x1  }
0x38f: {  	s4 =	sld [smem:$0x7E5]  }
0x390: {  	[hbm4b:s15+s2] =	stream.linear.scatter [tilespmem:s12], [sflag:$0x5], $0x80, $0x38;
	[tilespmem:$0x1F700] =	vst v63  }
0x391: {  	s15 =	sld [smem:$0x7E8];
	_ =	sdelay $0x1  }
0x392: {  	s8 =	sld [smem:$0x7E7]  }
0x393: {  	[hbm4b:s15+s2] =	stream.linear.scatter [tilespmem:s4], [sflag:$0x5], $0x80, $0x38;
	[tilespmem:$0x1F700] =	vst v63  }
0x394: {  	s15 =	sld [smem:$0x7EA];
	_ =	sdelay $0x1  }
0x395: {  	s12 =	sld [smem:$0x7E9]  }
0x396: {  	[hbm4b:s15+s2] =	stream.linear.scatter [tilespmem:s8], [sflag:$0x5], $0x80, $0x38;
	[tilespmem:$0x1F700] =	vst v63  }
0x397: {  	s15 =	sld [smem:$0x7EC];
	_ =	sdelay $0x1  }
0x398: {  	s4 =	sld [smem:$0x7EB]  }
0x399: {  	[hbm4b:s15+s2] =	stream.linear.scatter [tilespmem:s12], [sflag:$0x5], $0x80, $0x38;
	[tilespmem:$0x1F700] =	vst v63  }
0x39a: {  	_ = 	snop  }
0x39b: {  	[hbm4b:s18+s2] =	stream.linear.scatter [tilespmem:s4], [sflag:$0x5], $0x80, $0x38;
	[tilespmem:$0x1F700] =	vst v63  }
0x39c: {  	_ =	swait.ge [sflag:s11], $0x800  }
0x39d: {  	s8 =	sld [smem:$0x7EE]  }
0x39e: {  	[sflag:s11] =	ssyncset.done $0x0  }
0x39f: {  	s12 =	sld [smem:$0x7EF];
	[sflag:s11] =	ssyncadd.s32 $0xFFFFF800  }
0x3a0: {  	[hbm4b:s14+s2] =	stream.linear.scatter [tilespmem:s8], [sflag:$0x5], $0x80, $0x38;
	[tilespmem:$0x1F700] =	vst v63  }
0x3a1: {  	s13 =	sld [smem:$0x7F0]  }
0x3a2: {  	[hbm4b:s19+s2] =	stream.linear.scatter [tilespmem:s12], [sflag:$0x5], $0x80, $0x38;
	[tilespmem:$0x1F700] =	vst v63  }
0x3a3: {  	s15 =	sld [smem:$0x7F1]  }
0x3a4: {  	[hbm4b:s21+s2] =	stream.linear.scatter [tilespmem:s13], [sflag:$0x5], $0x80, $0x38;
	[tilespmem:$0x1F700] =	vst v63  }
0x3a5: {  	s8 =	sld [smem:$0x7F2]  }
0x3a6: {  	[hbm4b:s22+s2] =	stream.linear.scatter [tilespmem:s15], [sflag:$0x5], $0x80, $0x38;
	[tilespmem:$0x1F700] =	vst v63  }
0x3a7: {  	s13 =	sld [smem:$0x7F3]  }
0x3a8: {  	[hbm4b:s23+s2] =	stream.linear.scatter [tilespmem:s8], [sflag:$0x5], $0x80, $0x38;
	[tilespmem:$0x1F700] =	vst v63  }
0x3a9: {  	s15 =	sld [smem:$0x7F4]  }
0x3aa: {  	[hbm4b:s25+s2] =	stream.linear.scatter [tilespmem:s13], [sflag:$0x5], $0x80, $0x38;
	[tilespmem:$0x1F700] =	vst v63  }
0x3ab: {  	s8 =	sld [smem:$0x7F5]  }
0x3ac: {  	[hbm4b:s20+s2] =	stream.linear.scatter [tilespmem:s15], [sflag:$0x5], $0x80, $0x38;
	[tilespmem:$0x1F700] =	vst v63  }
0x3ad: {  	s13 =	sld [smem:$0x7F6]  }
0x3ae: {  	[hbm4b:s26+s2] =	stream.linear.scatter [tilespmem:s8], [sflag:$0x5], $0x80, $0x38;
	[tilespmem:$0x1F700] =	vst v63  }
0x3af: {  	s15 =	sld [smem:$0x7F7]  }
0x3b0: {  	[hbm4b:s28+s2] =	stream.linear.scatter [tilespmem:s13], [sflag:$0x5], $0x80, $0x38;
	[tilespmem:$0x1F700] =	vst v63  }
0x3b1: {  	s8 =	sld [smem:$0x7F8]  }
0x3b2: {  	[hbm4b:s30+s2] =	stream.linear.scatter [tilespmem:s15], [sflag:$0x5], $0x80, $0x38;
	[tilespmem:$0x1F700] =	vst v63  }
0x3b3: {  	s13 =	sld [smem:$0x7F9]  }
0x3b4: {  	[hbm4b:s24+s2] =	stream.linear.scatter [tilespmem:s8], [sflag:$0x5], $0x80, $0x38;
	[tilespmem:$0x1F700] =	vst v63  }
0x3b5: {  	s15 =	sld [smem:$0x7FA]  }
0x3b6: {  	[hbm4b:s1+s2] =	stream.linear.scatter [tilespmem:s13], [sflag:$0x5], $0x80, $0x38;
	[tilespmem:$0x1F700] =	vst v63  }
0x3b7: {  	s8 =	sld [smem:$0x7FB]  }
0x3b8: {  	[hbm4b:s29+s2] =	stream.linear.scatter [tilespmem:s15], [sflag:$0x5], $0x80, $0x38;
	[tilespmem:$0x1F700] =	vst v63  }
0x3b9: {  	s13 =	sld [smem:$0x7FC]  }
0x3ba: {  	[hbm4b:s0+s2] =	stream.linear.scatter [tilespmem:s8], [sflag:$0x5], $0x80, $0x38;
	[tilespmem:$0x1F700] =	vst v63  }
0x3bb: {  	s15 =	sld [smem:$0x7FD]  }
0x3bc: {  	[hbm4b:s3+s2] =	stream.linear.scatter [tilespmem:s13], [sflag:$0x5], $0x80, $0x38;
	[tilespmem:$0x1F700] =	vst v63  }
0x3bd: {  	_ = 	snop  }
0x3be: {  	[hbm4b:s9+s2] =	stream.linear.scatter [tilespmem:s15], [sflag:$0x5], $0x80, $0x38;
	[tilespmem:$0x1F700] =	vst v63  }
0x3bf: {  	_ =	swait.ge [sflag:s11], $0x800  }
0x3c0: {  	[sflag:s11] =	ssyncset.done $0x0  }
0x3c1: {  	[sflag:s11] =	ssyncadd.s32 $0xFFFFF800  }
0x3c2: {  	_ =	swait.ge [sflag:s31], $0x800  }
0x3c3: {  	[sflag:s31] =	ssyncset.done $0x0  }
0x3c4: {  	[sflag:s31] =	ssyncadd.s32 $0xFFFFF800  }
0x3c5: {  	_ =	swait.ge [sflag:s31], $0x800  }
0x3c6: {  	p0 =	sne.s32 s10, $0x1;
	[sflag:s31] =	ssyncset.done $0x0  }
.Ltmp1:
0x3c7: {  	[sflag:s31] =	ssyncadd.s32 $0xFFFFF800;
	(pc) =	sbr.rel @p0 .LBB2_2-.Ltmp1, $4  }
0x3c8: {  	_ =	swait.ge [sflag:s31], $0x800  }
0x3c9: {  	[sflag:s31] =	ssyncset.done $0x0  }
0x3ca: {  	[sflag:s31] =	ssyncadd.s32 $0xFFFFF800  }
0x3cb: {  	s10 =	sadd.s32 $0xFFFFFFFF, s10;
	_ =	swait.ge [sflag:s31], $0x800  }
.LBB2_3:
0x3cc: {  	[sflag:s31] =	ssyncset.done $0x0  }
0x3cd: {  	[sflag:s31] =	ssyncadd.s32 $0xFFFFF800  }
0x3ce: {  	_ =	sfence.sel $0x180000  }
0x3cf: {  	[bflag:$0x0] =	sbarrier.arrive $0xFFFF  }
0x3d0: {  	_ =	strace $0x90000047  }
0x3d1: {  	s0 =	stileid.u32;
	[bflag:$0x2] =	sbarrier.arrive $0xFFFF  }
0x3d2: {  	p0 =	sne.s32 s0, $0x0;
	s0 =	rddreg [dreg:$0x4]  }
0x3d3: {  	s0 =	sadd.s32 @!p0 $0x100000, s0  }
0x3d4: {  	[sflag:s0] =	ssyncadd.tile.s32 @!p0 $0x1;
	_ =	shalt  }
.Lfunc_end2:
_tile_overlayer_lowered:
.L_overlay_start_2:
0x3d5: {  	(tag) =	ssettag $0x2  }
0x3d6: {  	s0 =	rddreg [dreg:$0x0];
	s2 =	stileid.u32  }
0x3d7: {  	s1 =	rddreg [dreg:$0x1];
	p0 =	sne.s32 s2, $0x0  }
0x3d8: {  	s3 =	rddreg [dreg:$0x2];
	[bflag:$0x3] =	sbarrier.arrive $0xFFFF;
	s2 =	simm.s32 @!p0 $0x1C05  }
0x3d9: {  	[timem:s3], [sflag:s2] =	dma.local @!p0 [hbm:s0], s1  }
0x3da: {  	s0 =	simm.s32 @!p0 $0x5  }
0x3db: {  	_ =	swait.ge @!p0 [sflag:s0], s1  }
0x3dc: {  	s1 =	ssub.s32 @!p0 $0x0, s1;
	[sflag:s0] =	ssyncset.done @!p0 $0x0  }
0x3dd: {  	[sflag:s0] =	ssyncadd.s32 @!p0 s1  }
0x3de: {  	[bflag:$0x3] =	sbarrier.arrive $0xFFFF  }
0x3df: {  	_ =	shalt  }

</sc_bundles>
